<compile_context>
chip_gen: v7x
topology: tpu7x:2x2x1
jax: 0.10.2.dev20260603
libtpu: 0.0.44.dev20260713+nightly
codegen_flags: <defaults>
</compile_context>

<pallas_src>
import functools

import jax
import jax.numpy as jnp
from jax.experimental import pallas as pl
from jax.experimental.pallas import tpu as pltpu
from jax.experimental.pallas import tpu_sc as plsc

_B = 16384
_D = 128
_GW = 128
_BS = 4096


def _sc_gather(user_idx, item_idx, user_table, item_table, lo, n):
    nw = 32
    per = n // nw
    nch = per // _GW
    mesh = plsc.VectorSubcoreMesh(core_axis_name="core",
                                  subcore_axis_name="subcore")

    @functools.partial(
        pl.kernel,
        out_type=(jax.ShapeDtypeStruct((n, _D), jnp.float32),
                  jax.ShapeDtypeStruct((n, _D), jnp.float32)),
        mesh=mesh,
        scratch_types=(
            [pltpu.VMEM((per,), jnp.int32) for _ in range(2)]
            + [pltpu.VMEM((per, _D), jnp.float32) for _ in range(2)]
            + [pltpu.SemaphoreType.DMA for _ in range(2 * nch)]),
    )
    def gather_kernel(ut_hbm, it_hbm, ui_hbm, ii_hbm, eu_hbm, ev_hbm, *scr):
        idx_bufs = scr[:2]
        row_bufs = scr[2:4]
        sems = scr[4:]
        wid = jax.lax.axis_index("subcore") * 2 + jax.lax.axis_index("core")
        src_base = lo + wid * per
        dst_base = wid * per

        copies = []
        for t, idx_hbm, tab in ((0, ui_hbm, ut_hbm), (1, ii_hbm, it_hbm)):
            pltpu.sync_copy(idx_hbm.at[pl.ds(src_base, per)], idx_bufs[t])
            for c in range(nch):
                copies.append(
                    pltpu.async_copy(
                        tab.at[idx_bufs[t].at[pl.ds(c * _GW, _GW)]],
                        row_bufs[t].at[pl.ds(c * _GW, _GW)],
                        sems[t * nch + c]))
        for t, out_hbm in ((0, eu_hbm), (1, ev_hbm)):
            for c in range(nch):
                copies[t * nch + c].wait()
                pltpu.sync_copy(
                    row_bufs[t].at[pl.ds(c * _GW, _GW)],
                    out_hbm.at[pl.ds(dst_base + c * _GW, _GW)])

    return gather_kernel(user_table, item_table, user_idx, item_idx)


def _mlp_body(eu_ref, ev_ref, w1_ref, b1_ref, w2_ref, b2_ref,
              w3_ref, b3_ref, w4_ref, b4_ref, wp_ref, bp_ref, out_ref):
    def dot(a, w):
        return jnp.dot(a, w, preferred_element_type=jnp.float32)

    x = dot(eu_ref[...], w1_ref[0:_D, :]) + dot(ev_ref[...], w1_ref[_D:, :])
    x = jnp.maximum(x + b1_ref[...], 0.0)
    x = jnp.maximum(dot(x, w2_ref[...]) + b2_ref[...], 0.0)
    x = jnp.maximum(dot(x, w3_ref[...]) + b3_ref[...], 0.0)
    x = jnp.maximum(dot(x, w4_ref[...]) + b4_ref[...], 0.0)
    out_ref[...] = (dot(x, wp_ref[...]) + bp_ref[...]).reshape(-1)


def _mlp(eu, ev, w1, b1, w2, b2, w3, b3, w4, b4, wp, bp, y_prev, lo):
    n = eu.shape[0]
    bs = min(_BS, n)
    blk_off = lo // bs

    def _full(a):
        return pl.BlockSpec(a.shape, lambda i: (0,) * a.ndim)

    ins = [eu, ev, w1, b1, w2, b2, w3, b3, w4, b4, wp, bp]
    in_specs = [
        pl.BlockSpec((bs, _D), lambda i: (i, 0)),
        pl.BlockSpec((bs, _D), lambda i: (i, 0)),
        _full(w1), _full(b1), _full(w2), _full(b2),
        _full(w3), _full(b3), _full(w4), _full(b4), _full(wp), _full(bp),
    ]
    body = _mlp_body
    aliases = {}
    if y_prev is not None:
        ins.append(y_prev)
        in_specs.append(pl.BlockSpec(memory_space=pl.ANY))
        aliases = {12: 0}
        body = lambda *refs: _mlp_body(*refs[:12], refs[13])

    return pl.pallas_call(
        body,
        grid=(n // bs,),
        in_specs=in_specs,
        out_specs=pl.BlockSpec((bs,), lambda i: (i + blk_off,)),
        out_shape=jax.ShapeDtypeStruct((_B,), jnp.float32),
        input_output_aliases=aliases,
        compiler_params=pltpu.CompilerParams(
            dimension_semantics=("arbitrary",)),
    )(*ins)


def kernel(user, item, user_table, item_table,
           W1, b1, W2, b2, W3, b3, W4, b4, Wp, bp):
    user = user.astype(jnp.int32)
    item = item.astype(jnp.int32)
    h = _B // 2
    y = None
    for lo in (0, h):
        eu, ev = _sc_gather(user, item, user_table, item_table, lo, h)
        y = _mlp(eu, ev, W1, b1, W2, b2, W3, b3, W4, b4, Wp, bp, y, lo)
    return y

# --- scband reference (transcript-rebuilt; emitter-appended) ---
"""Pipeline reference for scband-rating-predictor-17506286698816 (READ-ONLY COPY).

The authoritative reference and input builder live on the scoring server;
editing this copy changes nothing except your own understanding.
"""

import jax, jax.numpy as jnp
import numpy as np

NUM_USERS = 1000000
NUM_ITEMS = 1000000
NUM_FACTORS = 16
NUM_LAYERS = 4
EMBED_DIM = NUM_FACTORS * 2 ** (NUM_LAYERS - 1)  # 128
BATCH = 16384


def setup_inputs(seed: int = 0) -> dict:
    key = jax.random.key(seed)
    ks = jax.random.split(key, 16)
    user = jax.random.randint(ks[0], (BATCH,), 0, NUM_USERS)
    item = jax.random.randint(ks[1], (BATCH,), 0, NUM_ITEMS)
    user_table = jax.random.normal(ks[2], (NUM_USERS, EMBED_DIM), dtype=jnp.float32) * 0.02
    item_table = jax.random.normal(ks[3], (NUM_ITEMS, EMBED_DIM), dtype=jnp.float32) * 0.02
    # MLP layers: input sizes 256 -> 128 -> 64 -> 32 -> 16
    Ws = {}
    for i in range(NUM_LAYERS):
        in_sz = NUM_FACTORS * 2 ** (NUM_LAYERS - i)
        out_sz = in_sz // 2
        Ws[f"W{i+1}"] = jax.random.normal(ks[4 + 2 * i], (in_sz, out_sz), dtype=jnp.float32) * (1.0 / np.sqrt(in_sz))
        Ws[f"b{i+1}"] = jnp.zeros((out_sz,), dtype=jnp.float32)
    Wp = jax.random.normal(ks[12], (NUM_FACTORS, 1), dtype=jnp.float32) * (1.0 / np.sqrt(NUM_FACTORS))
    bp = jnp.zeros((1,), dtype=jnp.float32)
    return {"user": user, "item": item, "user_table": user_table, "item_table": item_table,
            **Ws, "Wp": Wp, "bp": bp}


def reference(user, item, user_table, item_table, W1, b1, W2, b2, W3, b3, W4, b4, Wp, bp):
    # embedding lookups
    embed_user = jnp.take(user_table, user, axis=0)
    embed_item = jnp.take(item_table, item, axis=0)
    interaction = jnp.concatenate((embed_user, embed_item), axis=-1)
    # Dropout layers are identity in eval mode
    x = interaction
    x = jax.nn.relu(x @ W1 + b1)
    x = jax.nn.relu(x @ W2 + b2)
    x = jax.nn.relu(x @ W3 + b3)
    x = jax.nn.relu(x @ W4 + b4)
    pred = (x @ Wp + bp).reshape(-1)
    return pred

if __name__ == "__main__":
    import jax
    _d = setup_inputs()
    print(jax.jit(kernel)(*tuple(_d.values())))

</pallas_src>

<mosaic_0001>
#map = affine_map<(d0, d1) -> (0, 0)>
#map1 = affine_map<(d0, d1) -> (0)>
module attributes {stable_mosaic.version = 14 : i64} {
  func.func @gather_kernel(%arg0: i32, %arg1: i32, %arg2: memref<1000000x128xf32, #tpu.memory_space<hbm>>, %arg3: memref<1000000x128xf32, #tpu.memory_space<hbm>>, %arg4: memref<16384xi32, #tpu.memory_space<hbm>>, %arg5: memref<16384xi32, #tpu.memory_space<hbm>>, %arg6: memref<8192x128xf32, #tpu.memory_space<hbm>>, %arg7: memref<8192x128xf32, #tpu.memory_space<hbm>>, %arg8: memref<256xi32, #tpu.memory_space<vmem>>, %arg9: memref<256xi32, #tpu.memory_space<vmem>>, %arg10: memref<256x128xf32, #tpu.memory_space<vmem>>, %arg11: memref<256x128xf32, #tpu.memory_space<vmem>>, %arg12: memref<!tpu.dma_semaphore, #tpu.memory_space<semaphore_mem>>, %arg13: memref<!tpu.dma_semaphore, #tpu.memory_space<semaphore_mem>>, %arg14: memref<!tpu.dma_semaphore, #tpu.memory_space<semaphore_mem>>, %arg15: memref<!tpu.dma_semaphore, #tpu.memory_space<semaphore_mem>>) attributes {dimension_semantics = [#tpu.dimension_semantics<core_parallel>, #tpu.dimension_semantics<subcore_parallel>], iteration_bounds = array<i64: 2, 16>, scalar_prefetch = 0 : i64, scratch_operands = 8 : i64, tpu.core_type = #tpu.core_type<sc_vector_subcore>, window_params = [{transform_indices = #map}, {transform_indices = #map}, {transform_indices = #map1}, {transform_indices = #map1}, {transform_indices = #map}, {transform_indices = #map}]} {
    %mul3A = arith.constant 2 : i32
    %mul3A_0 = arith.muli %arg1, %mul3A : i32
    %add3A = arith.addi %mul3A_0, %arg0 : i32
    %mul3A_1 = arith.constant 256 : i32
    %mul3A_2 = arith.muli %add3A, %mul3A_1 : i32
    %add3A_3 = arith.constant 8192 : i32
    %add3A_4 = arith.addi %add3A_3, %mul3A_2 : i32
    %mul3A_5 = arith.constant 256 : i32
    %mul3A_6 = arith.muli %add3A, %mul3A_5 : i32
    "tpu.region"() ({
      %run_scoped3A = tpu.sem_alloc : memref<!tpu.dma_semaphore, #tpu.memory_space<semaphore_mem>>
      %dma_start3A_77 = tpu.memref_slice %arg4[%add3A_4] : memref<16384xi32, #tpu.memory_space<hbm>> -> memref<256xi32, #tpu.memory_space<hbm>>
      %dma_start3A_78 = tpu.memref_slice %arg4[%add3A_4] : memref<16384xi32, #tpu.memory_space<hbm>> -> memref<256xi32, #tpu.memory_space<hbm>>
      tpu.enqueue_dma source(%dma_start3A_78 : memref<256xi32, #tpu.memory_space<hbm>>) target(%arg8 : memref<256xi32, #tpu.memory_space<vmem>>) target_semaphore(%run_scoped3A : memref<!tpu.dma_semaphore, #tpu.memory_space<semaphore_mem>>)
      %dma_wait3A_79 = tpu.memref_slice %arg4[%add3A_4] : memref<16384xi32, #tpu.memory_space<hbm>> -> memref<256xi32, #tpu.memory_space<hbm>>
      %dma_wait3A_80 = tpu.memref_slice %arg4[%add3A_4] : memref<16384xi32, #tpu.memory_space<hbm>> -> memref<256xi32, #tpu.memory_space<hbm>>
      tpu.wait_dma2 semaphore(%run_scoped3A : memref<!tpu.dma_semaphore, #tpu.memory_space<semaphore_mem>>) src(%dma_wait3A_80 : memref<256xi32, #tpu.memory_space<hbm>>) dst(%arg8 : memref<256xi32, #tpu.memory_space<vmem>>)
      tpu.yield
    }) : () -> ()
    %dma_start3A = arith.constant 0 : i32
    %dma_start3A_7 = arith.constant 0 : i32
    %dma_start3A_8 = tpu.memref_slice %arg10[%dma_start3A, %dma_start3A_7] : memref<256x128xf32, #tpu.memory_space<vmem>> -> memref<128x128xf32, #tpu.memory_space<vmem>>
    %dma_start3A_9 = arith.constant 0 : i32
    %dma_start3A_10 = tpu.memref_slice %arg8[%dma_start3A_9] : memref<256xi32, #tpu.memory_space<vmem>> -> memref<128xi32, #tpu.memory_space<vmem>>
    %dma_start3A_11 = arith.constant 0 : i32
    %dma_start3A_12 = arith.constant 0 : i32
    %dma_start3A_13 = tpu.memref_slice %arg2[%dma_start3A_11, %dma_start3A_12] : memref<1000000x128xf32, #tpu.memory_space<hbm>> -> memref<1000000x128xf32, #tpu.memory_space<hbm>>
    tpu.enqueue_indirect_dma source(%dma_start3A_13 : memref<1000000x128xf32, #tpu.memory_space<hbm>>) target(%dma_start3A_8 : memref<128x128xf32, #tpu.memory_space<vmem>>) offsets(%dma_start3A_10 : memref<128xi32, #tpu.memory_space<vmem>>) semaphore(%arg12 : memref<!tpu.dma_semaphore, #tpu.memory_space<semaphore_mem>>)
    %dma_start3A_14 = arith.constant 128 : i32
    %dma_start3A_15 = arith.constant 0 : i32
    %dma_start3A_16 = tpu.memref_slice %arg10[%dma_start3A_14, %dma_start3A_15] : memref<256x128xf32, #tpu.memory_space<vmem>> -> memref<128x128xf32, #tpu.memory_space<vmem>>
    %dma_start3A_17 = arith.constant 128 : i32
    %dma_start3A_18 = tpu.memref_slice %arg8[%dma_start3A_17] : memref<256xi32, #tpu.memory_space<vmem>> -> memref<128xi32, #tpu.memory_space<vmem>>
    %dma_start3A_19 = arith.constant 0 : i32
    %dma_start3A_20 = arith.constant 0 : i32
    %dma_start3A_21 = tpu.memref_slice %arg2[%dma_start3A_19, %dma_start3A_20] : memref<1000000x128xf32, #tpu.memory_space<hbm>> -> memref<1000000x128xf32, #tpu.memory_space<hbm>>
    tpu.enqueue_indirect_dma source(%dma_start3A_21 : memref<1000000x128xf32, #tpu.memory_space<hbm>>) target(%dma_start3A_16 : memref<128x128xf32, #tpu.memory_space<vmem>>) offsets(%dma_start3A_18 : memref<128xi32, #tpu.memory_space<vmem>>) semaphore(%arg13 : memref<!tpu.dma_semaphore, #tpu.memory_space<semaphore_mem>>)
    "tpu.region"() ({
      %run_scoped3A = tpu.sem_alloc : memref<!tpu.dma_semaphore, #tpu.memory_space<semaphore_mem>>
      %dma_start3A_77 = tpu.memref_slice %arg5[%add3A_4] : memref<16384xi32, #tpu.memory_space<hbm>> -> memref<256xi32, #tpu.memory_space<hbm>>
      %dma_start3A_78 = tpu.memref_slice %arg5[%add3A_4] : memref<16384xi32, #tpu.memory_space<hbm>> -> memref<256xi32, #tpu.memory_space<hbm>>
      tpu.enqueue_dma source(%dma_start3A_78 : memref<256xi32, #tpu.memory_space<hbm>>) target(%arg9 : memref<256xi32, #tpu.memory_space<vmem>>) target_semaphore(%run_scoped3A : memref<!tpu.dma_semaphore, #tpu.memory_space<semaphore_mem>>)
      %dma_wait3A_79 = tpu.memref_slice %arg5[%add3A_4] : memref<16384xi32, #tpu.memory_space<hbm>> -> memref<256xi32, #tpu.memory_space<hbm>>
      %dma_wait3A_80 = tpu.memref_slice %arg5[%add3A_4] : memref<16384xi32, #tpu.memory_space<hbm>> -> memref<256xi32, #tpu.memory_space<hbm>>
      tpu.wait_dma2 semaphore(%run_scoped3A : memref<!tpu.dma_semaphore, #tpu.memory_space<semaphore_mem>>) src(%dma_wait3A_80 : memref<256xi32, #tpu.memory_space<hbm>>) dst(%arg9 : memref<256xi32, #tpu.memory_space<vmem>>)
      tpu.yield
    }) : () -> ()
    %dma_start3A_22 = arith.constant 0 : i32
    %dma_start3A_23 = arith.constant 0 : i32
    %dma_start3A_24 = tpu.memref_slice %arg11[%dma_start3A_22, %dma_start3A_23] : memref<256x128xf32, #tpu.memory_space<vmem>> -> memref<128x128xf32, #tpu.memory_space<vmem>>
    %dma_start3A_25 = arith.constant 0 : i32
    %dma_start3A_26 = tpu.memref_slice %arg9[%dma_start3A_25] : memref<256xi32, #tpu.memory_space<vmem>> -> memref<128xi32, #tpu.memory_space<vmem>>
    %dma_start3A_27 = arith.constant 0 : i32
    %dma_start3A_28 = arith.constant 0 : i32
    %dma_start3A_29 = tpu.memref_slice %arg3[%dma_start3A_27, %dma_start3A_28] : memref<1000000x128xf32, #tpu.memory_space<hbm>> -> memref<1000000x128xf32, #tpu.memory_space<hbm>>
    tpu.enqueue_indirect_dma source(%dma_start3A_29 : memref<1000000x128xf32, #tpu.memory_space<hbm>>) target(%dma_start3A_24 : memref<128x128xf32, #tpu.memory_space<vmem>>) offsets(%dma_start3A_26 : memref<128xi32, #tpu.memory_space<vmem>>) semaphore(%arg14 : memref<!tpu.dma_semaphore, #tpu.memory_space<semaphore_mem>>)
    %dma_start3A_30 = arith.constant 128 : i32
    %dma_start3A_31 = arith.constant 0 : i32
    %dma_start3A_32 = tpu.memref_slice %arg11[%dma_start3A_30, %dma_start3A_31] : memref<256x128xf32, #tpu.memory_space<vmem>> -> memref<128x128xf32, #tpu.memory_space<vmem>>
    %dma_start3A_33 = arith.constant 128 : i32
    %dma_start3A_34 = tpu.memref_slice %arg9[%dma_start3A_33] : memref<256xi32, #tpu.memory_space<vmem>> -> memref<128xi32, #tpu.memory_space<vmem>>
    %dma_start3A_35 = arith.constant 0 : i32
    %dma_start3A_36 = arith.constant 0 : i32
    %dma_start3A_37 = tpu.memref_slice %arg3[%dma_start3A_35, %dma_start3A_36] : memref<1000000x128xf32, #tpu.memory_space<hbm>> -> memref<1000000x128xf32, #tpu.memory_space<hbm>>
    tpu.enqueue_indirect_dma source(%dma_start3A_37 : memref<1000000x128xf32, #tpu.memory_space<hbm>>) target(%dma_start3A_32 : memref<128x128xf32, #tpu.memory_space<vmem>>) offsets(%dma_start3A_34 : memref<128xi32, #tpu.memory_space<vmem>>) semaphore(%arg15 : memref<!tpu.dma_semaphore, #tpu.memory_space<semaphore_mem>>)
    %dma_wait3A = arith.constant 0 : i32
    %dma_wait3A_38 = arith.constant 0 : i32
    %dma_wait3A_39 = tpu.memref_slice %arg10[%dma_wait3A, %dma_wait3A_38] : memref<256x128xf32, #tpu.memory_space<vmem>> -> memref<128x128xf32, #tpu.memory_space<vmem>>
    %dma_wait3A_40 = arith.constant 0 : i32
    %dma_wait3A_41 = tpu.memref_slice %arg8[%dma_wait3A_40] : memref<256xi32, #tpu.memory_space<vmem>> -> memref<128xi32, #tpu.memory_space<vmem>>
    %dma_wait3A_42 = arith.constant 0 : i32
    %dma_wait3A_43 = arith.constant 0 : i32
    %dma_wait3A_44 = tpu.memref_slice %arg2[%dma_wait3A_42, %dma_wait3A_43] : memref<1000000x128xf32, #tpu.memory_space<hbm>> -> memref<1000000x128xf32, #tpu.memory_space<hbm>>
    tpu.wait_indirect_dma semaphore(%arg12 : memref<!tpu.dma_semaphore, #tpu.memory_space<semaphore_mem>>) src(%dma_wait3A_44 : memref<1000000x128xf32, #tpu.memory_space<hbm>>) dst(%dma_wait3A_39 : memref<128x128xf32, #tpu.memory_space<vmem>>)
    %add3A_45 = arith.constant 0 : i32
    %add3A_46 = arith.addi %mul3A_6, %add3A_45 : i32
    "tpu.region"() ({
      %run_scoped3A = tpu.sem_alloc : memref<!tpu.dma_semaphore, #tpu.memory_space<semaphore_mem>>
      %dma_start3A_77 = arith.constant 0 : i32
      %dma_start3A_78 = arith.constant 0 : i32
      %dma_start3A_79 = tpu.memref_slice %arg10[%dma_start3A_77, %dma_start3A_78] : memref<256x128xf32, #tpu.memory_space<vmem>> -> memref<128x128xf32, #tpu.memory_space<vmem>>
      %dma_start3A_80 = arith.constant 0 : i32
      %dma_start3A_81 = tpu.memref_slice %arg6[%add3A_46, %dma_start3A_80] : memref<8192x128xf32, #tpu.memory_space<hbm>> -> memref<128x128xf32, #tpu.memory_space<hbm>>
      %dma_start3A_82 = arith.constant 0 : i32
      %dma_start3A_83 = tpu.memref_slice %arg6[%add3A_46, %dma_start3A_82] : memref<8192x128xf32, #tpu.memory_space<hbm>> -> memref<128x128xf32, #tpu.memory_space<hbm>>
      %dma_start3A_84 = arith.constant 0 : i32
      %dma_start3A_85 = arith.constant 0 : i32
      %dma_start3A_86 = tpu.memref_slice %arg10[%dma_start3A_84, %dma_start3A_85] : memref<256x128xf32, #tpu.memory_space<vmem>> -> memref<128x128xf32, #tpu.memory_space<vmem>>
      tpu.enqueue_dma source(%dma_start3A_86 : memref<128x128xf32, #tpu.memory_space<vmem>>) target(%dma_start3A_83 : memref<128x128xf32, #tpu.memory_space<hbm>>) target_semaphore(%run_scoped3A : memref<!tpu.dma_semaphore, #tpu.memory_space<semaphore_mem>>)
      %dma_wait3A_87 = arith.constant 0 : i32
      %dma_wait3A_88 = arith.constant 0 : i32
      %dma_wait3A_89 = tpu.memref_slice %arg10[%dma_wait3A_87, %dma_wait3A_88] : memref<256x128xf32, #tpu.memory_space<vmem>> -> memref<128x128xf32, #tpu.memory_space<vmem>>
      %dma_wait3A_90 = arith.constant 0 : i32
      %dma_wait3A_91 = tpu.memref_slice %arg6[%add3A_46, %dma_wait3A_90] : memref<8192x128xf32, #tpu.memory_space<hbm>> -> memref<128x128xf32, #tpu.memory_space<hbm>>
      %dma_wait3A_92 = arith.constant 0 : i32
      %dma_wait3A_93 = tpu.memref_slice %arg6[%add3A_46, %dma_wait3A_92] : memref<8192x128xf32, #tpu.memory_space<hbm>> -> memref<128x128xf32, #tpu.memory_space<hbm>>
      %dma_wait3A_94 = arith.constant 0 : i32
      %dma_wait3A_95 = arith.constant 0 : i32
      %dma_wait3A_96 = tpu.memref_slice %arg10[%dma_wait3A_94, %dma_wait3A_95] : memref<256x128xf32, #tpu.memory_space<vmem>> -> memref<128x128xf32, #tpu.memory_space<vmem>>
      tpu.wait_dma2 semaphore(%run_scoped3A : memref<!tpu.dma_semaphore, #tpu.memory_space<semaphore_mem>>) src(%dma_wait3A_96 : memref<128x128xf32, #tpu.memory_space<vmem>>) dst(%dma_wait3A_93 : memref<128x128xf32, #tpu.memory_space<hbm>>)
      tpu.yield
    }) : () -> ()
    %dma_wait3A_47 = arith.constant 128 : i32
    %dma_wait3A_48 = arith.constant 0 : i32
    %dma_wait3A_49 = tpu.memref_slice %arg10[%dma_wait3A_47, %dma_wait3A_48] : memref<256x128xf32, #tpu.memory_space<vmem>> -> memref<128x128xf32, #tpu.memory_space<vmem>>
    %dma_wait3A_50 = arith.constant 128 : i32
    %dma_wait3A_51 = tpu.memref_slice %arg8[%dma_wait3A_50] : memref<256xi32, #tpu.memory_space<vmem>> -> memref<128xi32, #tpu.memory_space<vmem>>
    %dma_wait3A_52 = arith.constant 0 : i32
    %dma_wait3A_53 = arith.constant 0 : i32
    %dma_wait3A_54 = tpu.memref_slice %arg2[%dma_wait3A_52, %dma_wait3A_53] : memref<1000000x128xf32, #tpu.memory_space<hbm>> -> memref<1000000x128xf32, #tpu.memory_space<hbm>>
    tpu.wait_indirect_dma semaphore(%arg13 : memref<!tpu.dma_semaphore, #tpu.memory_space<semaphore_mem>>) src(%dma_wait3A_54 : memref<1000000x128xf32, #tpu.memory_space<hbm>>) dst(%dma_wait3A_49 : memref<128x128xf32, #tpu.memory_space<vmem>>)
    %add3A_55 = arith.constant 128 : i32
    %add3A_56 = arith.addi %mul3A_6, %add3A_55 : i32
    "tpu.region"() ({
      %run_scoped3A = tpu.sem_alloc : memref<!tpu.dma_semaphore, #tpu.memory_space<semaphore_mem>>
      %dma_start3A_77 = arith.constant 128 : i32
      %dma_start3A_78 = arith.constant 0 : i32
      %dma_start3A_79 = tpu.memref_slice %arg10[%dma_start3A_77, %dma_start3A_78] : memref<256x128xf32, #tpu.memory_space<vmem>> -> memref<128x128xf32, #tpu.memory_space<vmem>>
      %dma_start3A_80 = arith.constant 0 : i32
      %dma_start3A_81 = tpu.memref_slice %arg6[%add3A_56, %dma_start3A_80] : memref<8192x128xf32, #tpu.memory_space<hbm>> -> memref<128x128xf32, #tpu.memory_space<hbm>>
      %dma_start3A_82 = arith.constant 0 : i32
      %dma_start3A_83 = tpu.memref_slice %arg6[%add3A_56, %dma_start3A_82] : memref<8192x128xf32, #tpu.memory_space<hbm>> -> memref<128x128xf32, #tpu.memory_space<hbm>>
      %dma_start3A_84 = arith.constant 128 : i32
      %dma_start3A_85 = arith.constant 0 : i32
      %dma_start3A_86 = tpu.memref_slice %arg10[%dma_start3A_84, %dma_start3A_85] : memref<256x128xf32, #tpu.memory_space<vmem>> -> memref<128x128xf32, #tpu.memory_space<vmem>>
      tpu.enqueue_dma source(%dma_start3A_86 : memref<128x128xf32, #tpu.memory_space<vmem>>) target(%dma_start3A_83 : memref<128x128xf32, #tpu.memory_space<hbm>>) target_semaphore(%run_scoped3A : memref<!tpu.dma_semaphore, #tpu.memory_space<semaphore_mem>>)
      %dma_wait3A_87 = arith.constant 128 : i32
      %dma_wait3A_88 = arith.constant 0 : i32
      %dma_wait3A_89 = tpu.memref_slice %arg10[%dma_wait3A_87, %dma_wait3A_88] : memref<256x128xf32, #tpu.memory_space<vmem>> -> memref<128x128xf32, #tpu.memory_space<vmem>>
      %dma_wait3A_90 = arith.constant 0 : i32
      %dma_wait3A_91 = tpu.memref_slice %arg6[%add3A_56, %dma_wait3A_90] : memref<8192x128xf32, #tpu.memory_space<hbm>> -> memref<128x128xf32, #tpu.memory_space<hbm>>
      %dma_wait3A_92 = arith.constant 0 : i32
      %dma_wait3A_93 = tpu.memref_slice %arg6[%add3A_56, %dma_wait3A_92] : memref<8192x128xf32, #tpu.memory_space<hbm>> -> memref<128x128xf32, #tpu.memory_space<hbm>>
      %dma_wait3A_94 = arith.constant 128 : i32
      %dma_wait3A_95 = arith.constant 0 : i32
      %dma_wait3A_96 = tpu.memref_slice %arg10[%dma_wait3A_94, %dma_wait3A_95] : memref<256x128xf32, #tpu.memory_space<vmem>> -> memref<128x128xf32, #tpu.memory_space<vmem>>
      tpu.wait_dma2 semaphore(%run_scoped3A : memref<!tpu.dma_semaphore, #tpu.memory_space<semaphore_mem>>) src(%dma_wait3A_96 : memref<128x128xf32, #tpu.memory_space<vmem>>) dst(%dma_wait3A_93 : memref<128x128xf32, #tpu.memory_space<hbm>>)
      tpu.yield
    }) : () -> ()
    %dma_wait3A_57 = arith.constant 0 : i32
    %dma_wait3A_58 = arith.constant 0 : i32
    %dma_wait3A_59 = tpu.memref_slice %arg11[%dma_wait3A_57, %dma_wait3A_58] : memref<256x128xf32, #tpu.memory_space<vmem>> -> memref<128x128xf32, #tpu.memory_space<vmem>>
    %dma_wait3A_60 = arith.constant 0 : i32
    %dma_wait3A_61 = tpu.memref_slice %arg9[%dma_wait3A_60] : memref<256xi32, #tpu.memory_space<vmem>> -> memref<128xi32, #tpu.memory_space<vmem>>
    %dma_wait3A_62 = arith.constant 0 : i32
    %dma_wait3A_63 = arith.constant 0 : i32
    %dma_wait3A_64 = tpu.memref_slice %arg3[%dma_wait3A_62, %dma_wait3A_63] : memref<1000000x128xf32, #tpu.memory_space<hbm>> -> memref<1000000x128xf32, #tpu.memory_space<hbm>>
    tpu.wait_indirect_dma semaphore(%arg14 : memref<!tpu.dma_semaphore, #tpu.memory_space<semaphore_mem>>) src(%dma_wait3A_64 : memref<1000000x128xf32, #tpu.memory_space<hbm>>) dst(%dma_wait3A_59 : memref<128x128xf32, #tpu.memory_space<vmem>>)
    %add3A_65 = arith.constant 0 : i32
    %add3A_66 = arith.addi %mul3A_6, %add3A_65 : i32
    "tpu.region"() ({
      %run_scoped3A = tpu.sem_alloc : memref<!tpu.dma_semaphore, #tpu.memory_space<semaphore_mem>>
      %dma_start3A_77 = arith.constant 0 : i32
      %dma_start3A_78 = arith.constant 0 : i32
      %dma_start3A_79 = tpu.memref_slice %arg11[%dma_start3A_77, %dma_start3A_78] : memref<256x128xf32, #tpu.memory_space<vmem>> -> memref<128x128xf32, #tpu.memory_space<vmem>>
      %dma_start3A_80 = arith.constant 0 : i32
      %dma_start3A_81 = tpu.memref_slice %arg7[%add3A_66, %dma_start3A_80] : memref<8192x128xf32, #tpu.memory_space<hbm>> -> memref<128x128xf32, #tpu.memory_space<hbm>>
      %dma_start3A_82 = arith.constant 0 : i32
      %dma_start3A_83 = tpu.memref_slice %arg7[%add3A_66, %dma_start3A_82] : memref<8192x128xf32, #tpu.memory_space<hbm>> -> memref<128x128xf32, #tpu.memory_space<hbm>>
      %dma_start3A_84 = arith.constant 0 : i32
      %dma_start3A_85 = arith.constant 0 : i32
      %dma_start3A_86 = tpu.memref_slice %arg11[%dma_start3A_84, %dma_start3A_85] : memref<256x128xf32, #tpu.memory_space<vmem>> -> memref<128x128xf32, #tpu.memory_space<vmem>>
      tpu.enqueue_dma source(%dma_start3A_86 : memref<128x128xf32, #tpu.memory_space<vmem>>) target(%dma_start3A_83 : memref<128x128xf32, #tpu.memory_space<hbm>>) target_semaphore(%run_scoped3A : memref<!tpu.dma_semaphore, #tpu.memory_space<semaphore_mem>>)
      %dma_wait3A_87 = arith.constant 0 : i32
      %dma_wait3A_88 = arith.constant 0 : i32
      %dma_wait3A_89 = tpu.memref_slice %arg11[%dma_wait3A_87, %dma_wait3A_88] : memref<256x128xf32, #tpu.memory_space<vmem>> -> memref<128x128xf32, #tpu.memory_space<vmem>>
      %dma_wait3A_90 = arith.constant 0 : i32
      %dma_wait3A_91 = tpu.memref_slice %arg7[%add3A_66, %dma_wait3A_90] : memref<8192x128xf32, #tpu.memory_space<hbm>> -> memref<128x128xf32, #tpu.memory_space<hbm>>
      %dma_wait3A_92 = arith.constant 0 : i32
      %dma_wait3A_93 = tpu.memref_slice %arg7[%add3A_66, %dma_wait3A_92] : memref<8192x128xf32, #tpu.memory_space<hbm>> -> memref<128x128xf32, #tpu.memory_space<hbm>>
      %dma_wait3A_94 = arith.constant 0 : i32
      %dma_wait3A_95 = arith.constant 0 : i32
      %dma_wait3A_96 = tpu.memref_slice %arg11[%dma_wait3A_94, %dma_wait3A_95] : memref<256x128xf32, #tpu.memory_space<vmem>> -> memref<128x128xf32, #tpu.memory_space<vmem>>
      tpu.wait_dma2 semaphore(%run_scoped3A : memref<!tpu.dma_semaphore, #tpu.memory_space<semaphore_mem>>) src(%dma_wait3A_96 : memref<128x128xf32, #tpu.memory_space<vmem>>) dst(%dma_wait3A_93 : memref<128x128xf32, #tpu.memory_space<hbm>>)
      tpu.yield
    }) : () -> ()
    %dma_wait3A_67 = arith.constant 128 : i32
    %dma_wait3A_68 = arith.constant 0 : i32
    %dma_wait3A_69 = tpu.memref_slice %arg11[%dma_wait3A_67, %dma_wait3A_68] : memref<256x128xf32, #tpu.memory_space<vmem>> -> memref<128x128xf32, #tpu.memory_space<vmem>>
    %dma_wait3A_70 = arith.constant 128 : i32
    %dma_wait3A_71 = tpu.memref_slice %arg9[%dma_wait3A_70] : memref<256xi32, #tpu.memory_space<vmem>> -> memref<128xi32, #tpu.memory_space<vmem>>
    %dma_wait3A_72 = arith.constant 0 : i32
    %dma_wait3A_73 = arith.constant 0 : i32
    %dma_wait3A_74 = tpu.memref_slice %arg3[%dma_wait3A_72, %dma_wait3A_73] : memref<1000000x128xf32, #tpu.memory_space<hbm>> -> memref<1000000x128xf32, #tpu.memory_space<hbm>>
    tpu.wait_indirect_dma semaphore(%arg15 : memref<!tpu.dma_semaphore, #tpu.memory_space<semaphore_mem>>) src(%dma_wait3A_74 : memref<1000000x128xf32, #tpu.memory_space<hbm>>) dst(%dma_wait3A_69 : memref<128x128xf32, #tpu.memory_space<vmem>>)
    %add3A_75 = arith.constant 128 : i32
    %add3A_76 = arith.addi %mul3A_6, %add3A_75 : i32
    "tpu.region"() ({
      %run_scoped3A = tpu.sem_alloc : memref<!tpu.dma_semaphore, #tpu.memory_space<semaphore_mem>>
      %dma_start3A_77 = arith.constant 128 : i32
      %dma_start3A_78 = arith.constant 0 : i32
      %dma_start3A_79 = tpu.memref_slice %arg11[%dma_start3A_77, %dma_start3A_78] : memref<256x128xf32, #tpu.memory_space<vmem>> -> memref<128x128xf32, #tpu.memory_space<vmem>>
      %dma_start3A_80 = arith.constant 0 : i32
      %dma_start3A_81 = tpu.memref_slice %arg7[%add3A_76, %dma_start3A_80] : memref<8192x128xf32, #tpu.memory_space<hbm>> -> memref<128x128xf32, #tpu.memory_space<hbm>>
      %dma_start3A_82 = arith.constant 0 : i32
      %dma_start3A_83 = tpu.memref_slice %arg7[%add3A_76, %dma_start3A_82] : memref<8192x128xf32, #tpu.memory_space<hbm>> -> memref<128x128xf32, #tpu.memory_space<hbm>>
      %dma_start3A_84 = arith.constant 128 : i32
      %dma_start3A_85 = arith.constant 0 : i32
      %dma_start3A_86 = tpu.memref_slice %arg11[%dma_start3A_84, %dma_start3A_85] : memref<256x128xf32, #tpu.memory_space<vmem>> -> memref<128x128xf32, #tpu.memory_space<vmem>>
      tpu.enqueue_dma source(%dma_start3A_86 : memref<128x128xf32, #tpu.memory_space<vmem>>) target(%dma_start3A_83 : memref<128x128xf32, #tpu.memory_space<hbm>>) target_semaphore(%run_scoped3A : memref<!tpu.dma_semaphore, #tpu.memory_space<semaphore_mem>>)
      %dma_wait3A_87 = arith.constant 128 : i32
      %dma_wait3A_88 = arith.constant 0 : i32
      %dma_wait3A_89 = tpu.memref_slice %arg11[%dma_wait3A_87, %dma_wait3A_88] : memref<256x128xf32, #tpu.memory_space<vmem>> -> memref<128x128xf32, #tpu.memory_space<vmem>>
      %dma_wait3A_90 = arith.constant 0 : i32
      %dma_wait3A_91 = tpu.memref_slice %arg7[%add3A_76, %dma_wait3A_90] : memref<8192x128xf32, #tpu.memory_space<hbm>> -> memref<128x128xf32, #tpu.memory_space<hbm>>
      %dma_wait3A_92 = arith.constant 0 : i32
      %dma_wait3A_93 = tpu.memref_slice %arg7[%add3A_76, %dma_wait3A_92] : memref<8192x128xf32, #tpu.memory_space<hbm>> -> memref<128x128xf32, #tpu.memory_space<hbm>>
      %dma_wait3A_94 = arith.constant 128 : i32
      %dma_wait3A_95 = arith.constant 0 : i32
      %dma_wait3A_96 = tpu.memref_slice %arg11[%dma_wait3A_94, %dma_wait3A_95] : memref<256x128xf32, #tpu.memory_space<vmem>> -> memref<128x128xf32, #tpu.memory_space<vmem>>
      tpu.wait_dma2 semaphore(%run_scoped3A : memref<!tpu.dma_semaphore, #tpu.memory_space<semaphore_mem>>) src(%dma_wait3A_96 : memref<128x128xf32, #tpu.memory_space<vmem>>) dst(%dma_wait3A_93 : memref<128x128xf32, #tpu.memory_space<hbm>>)
      tpu.yield
    }) : () -> ()
    return
  }
}

#map = affine_map<(d0, d1) -> (0, 0)>
#map1 = affine_map<(d0, d1) -> (0)>
module attributes {stable_mosaic.version = 14 : i64} {
  func.func @gather_kernel(%arg0: i32, %arg1: i32, %arg2: memref<1000000x128xf32, #tpu.memory_space<hbm>>, %arg3: memref<1000000x128xf32, #tpu.memory_space<hbm>>, %arg4: memref<16384xi32, #tpu.memory_space<hbm>>, %arg5: memref<16384xi32, #tpu.memory_space<hbm>>, %arg6: memref<8192x128xf32, #tpu.memory_space<hbm>>, %arg7: memref<8192x128xf32, #tpu.memory_space<hbm>>, %arg8: memref<256xi32, #tpu.memory_space<vmem>>, %arg9: memref<256xi32, #tpu.memory_space<vmem>>, %arg10: memref<256x128xf32, #tpu.memory_space<vmem>>, %arg11: memref<256x128xf32, #tpu.memory_space<vmem>>, %arg12: memref<!tpu.dma_semaphore, #tpu.memory_space<semaphore_mem>>, %arg13: memref<!tpu.dma_semaphore, #tpu.memory_space<semaphore_mem>>, %arg14: memref<!tpu.dma_semaphore, #tpu.memory_space<semaphore_mem>>, %arg15: memref<!tpu.dma_semaphore, #tpu.memory_space<semaphore_mem>>) attributes {dimension_semantics = [#tpu.dimension_semantics<core_parallel>, #tpu.dimension_semantics<subcore_parallel>], iteration_bounds = array<i64: 2, 16>, scalar_prefetch = 0 : i64, scratch_operands = 8 : i64, tpu.core_type = #tpu.core_type<sc_vector_subcore>, window_params = [{transform_indices = #map}, {transform_indices = #map}, {transform_indices = #map1}, {transform_indices = #map1}, {transform_indices = #map}, {transform_indices = #map}]} {
    %mul3A = arith.constant 2 : i32
    %mul3A_0 = arith.muli %arg1, %mul3A : i32
    %add3A = arith.addi %mul3A_0, %arg0 : i32
    %mul3A_1 = arith.constant 256 : i32
    %mul3A_2 = arith.muli %add3A, %mul3A_1 : i32
    %add3A_3 = arith.constant 0 : i32
    %add3A_4 = arith.addi %add3A_3, %mul3A_2 : i32
    %mul3A_5 = arith.constant 256 : i32
    %mul3A_6 = arith.muli %add3A, %mul3A_5 : i32
    "tpu.region"() ({
      %run_scoped3A = tpu.sem_alloc : memref<!tpu.dma_semaphore, #tpu.memory_space<semaphore_mem>>
      %dma_start3A_77 = tpu.memref_slice %arg4[%add3A_4] : memref<16384xi32, #tpu.memory_space<hbm>> -> memref<256xi32, #tpu.memory_space<hbm>>
      %dma_start3A_78 = tpu.memref_slice %arg4[%add3A_4] : memref<16384xi32, #tpu.memory_space<hbm>> -> memref<256xi32, #tpu.memory_space<hbm>>
      tpu.enqueue_dma source(%dma_start3A_78 : memref<256xi32, #tpu.memory_space<hbm>>) target(%arg8 : memref<256xi32, #tpu.memory_space<vmem>>) target_semaphore(%run_scoped3A : memref<!tpu.dma_semaphore, #tpu.memory_space<semaphore_mem>>)
      %dma_wait3A_79 = tpu.memref_slice %arg4[%add3A_4] : memref<16384xi32, #tpu.memory_space<hbm>> -> memref<256xi32, #tpu.memory_space<hbm>>
      %dma_wait3A_80 = tpu.memref_slice %arg4[%add3A_4] : memref<16384xi32, #tpu.memory_space<hbm>> -> memref<256xi32, #tpu.memory_space<hbm>>
      tpu.wait_dma2 semaphore(%run_scoped3A : memref<!tpu.dma_semaphore, #tpu.memory_space<semaphore_mem>>) src(%dma_wait3A_80 : memref<256xi32, #tpu.memory_space<hbm>>) dst(%arg8 : memref<256xi32, #tpu.memory_space<vmem>>)
      tpu.yield
    }) : () -> ()
    %dma_start3A = arith.constant 0 : i32
    %dma_start3A_7 = arith.constant 0 : i32
    %dma_start3A_8 = tpu.memref_slice %arg10[%dma_start3A, %dma_start3A_7] : memref<256x128xf32, #tpu.memory_space<vmem>> -> memref<128x128xf32, #tpu.memory_space<vmem>>
    %dma_start3A_9 = arith.constant 0 : i32
    %dma_start3A_10 = tpu.memref_slice %arg8[%dma_start3A_9] : memref<256xi32, #tpu.memory_space<vmem>> -> memref<128xi32, #tpu.memory_space<vmem>>
    %dma_start3A_11 = arith.constant 0 : i32
    %dma_start3A_12 = arith.constant 0 : i32
    %dma_start3A_13 = tpu.memref_slice %arg2[%dma_start3A_11, %dma_start3A_12] : memref<1000000x128xf32, #tpu.memory_space<hbm>> -> memref<1000000x128xf32, #tpu.memory_space<hbm>>
    tpu.enqueue_indirect_dma source(%dma_start3A_13 : memref<1000000x128xf32, #tpu.memory_space<hbm>>) target(%dma_start3A_8 : memref<128x128xf32, #tpu.memory_space<vmem>>) offsets(%dma_start3A_10 : memref<128xi32, #tpu.memory_space<vmem>>) semaphore(%arg12 : memref<!tpu.dma_semaphore, #tpu.memory_space<semaphore_mem>>)
    %dma_start3A_14 = arith.constant 128 : i32
    %dma_start3A_15 = arith.constant 0 : i32
    %dma_start3A_16 = tpu.memref_slice %arg10[%dma_start3A_14, %dma_start3A_15] : memref<256x128xf32, #tpu.memory_space<vmem>> -> memref<128x128xf32, #tpu.memory_space<vmem>>
    %dma_start3A_17 = arith.constant 128 : i32
    %dma_start3A_18 = tpu.memref_slice %arg8[%dma_start3A_17] : memref<256xi32, #tpu.memory_space<vmem>> -> memref<128xi32, #tpu.memory_space<vmem>>
    %dma_start3A_19 = arith.constant 0 : i32
    %dma_start3A_20 = arith.constant 0 : i32
    %dma_start3A_21 = tpu.memref_slice %arg2[%dma_start3A_19, %dma_start3A_20] : memref<1000000x128xf32, #tpu.memory_space<hbm>> -> memref<1000000x128xf32, #tpu.memory_space<hbm>>
    tpu.enqueue_indirect_dma source(%dma_start3A_21 : memref<1000000x128xf32, #tpu.memory_space<hbm>>) target(%dma_start3A_16 : memref<128x128xf32, #tpu.memory_space<vmem>>) offsets(%dma_start3A_18 : memref<128xi32, #tpu.memory_space<vmem>>) semaphore(%arg13 : memref<!tpu.dma_semaphore, #tpu.memory_space<semaphore_mem>>)
    "tpu.region"() ({
      %run_scoped3A = tpu.sem_alloc : memref<!tpu.dma_semaphore, #tpu.memory_space<semaphore_mem>>
      %dma_start3A_77 = tpu.memref_slice %arg5[%add3A_4] : memref<16384xi32, #tpu.memory_space<hbm>> -> memref<256xi32, #tpu.memory_space<hbm>>
      %dma_start3A_78 = tpu.memref_slice %arg5[%add3A_4] : memref<16384xi32, #tpu.memory_space<hbm>> -> memref<256xi32, #tpu.memory_space<hbm>>
      tpu.enqueue_dma source(%dma_start3A_78 : memref<256xi32, #tpu.memory_space<hbm>>) target(%arg9 : memref<256xi32, #tpu.memory_space<vmem>>) target_semaphore(%run_scoped3A : memref<!tpu.dma_semaphore, #tpu.memory_space<semaphore_mem>>)
      %dma_wait3A_79 = tpu.memref_slice %arg5[%add3A_4] : memref<16384xi32, #tpu.memory_space<hbm>> -> memref<256xi32, #tpu.memory_space<hbm>>
      %dma_wait3A_80 = tpu.memref_slice %arg5[%add3A_4] : memref<16384xi32, #tpu.memory_space<hbm>> -> memref<256xi32, #tpu.memory_space<hbm>>
      tpu.wait_dma2 semaphore(%run_scoped3A : memref<!tpu.dma_semaphore, #tpu.memory_space<semaphore_mem>>) src(%dma_wait3A_80 : memref<256xi32, #tpu.memory_space<hbm>>) dst(%arg9 : memref<256xi32, #tpu.memory_space<vmem>>)
      tpu.yield
    }) : () -> ()
    %dma_start3A_22 = arith.constant 0 : i32
    %dma_start3A_23 = arith.constant 0 : i32
    %dma_start3A_24 = tpu.memref_slice %arg11[%dma_start3A_22, %dma_start3A_23] : memref<256x128xf32, #tpu.memory_space<vmem>> -> memref<128x128xf32, #tpu.memory_space<vmem>>
    %dma_start3A_25 = arith.constant 0 : i32
    %dma_start3A_26 = tpu.memref_slice %arg9[%dma_start3A_25] : memref<256xi32, #tpu.memory_space<vmem>> -> memref<128xi32, #tpu.memory_space<vmem>>
    %dma_start3A_27 = arith.constant 0 : i32
    %dma_start3A_28 = arith.constant 0 : i32
    %dma_start3A_29 = tpu.memref_slice %arg3[%dma_start3A_27, %dma_start3A_28] : memref<1000000x128xf32, #tpu.memory_space<hbm>> -> memref<1000000x128xf32, #tpu.memory_space<hbm>>
    tpu.enqueue_indirect_dma source(%dma_start3A_29 : memref<1000000x128xf32, #tpu.memory_space<hbm>>) target(%dma_start3A_24 : memref<128x128xf32, #tpu.memory_space<vmem>>) offsets(%dma_start3A_26 : memref<128xi32, #tpu.memory_space<vmem>>) semaphore(%arg14 : memref<!tpu.dma_semaphore, #tpu.memory_space<semaphore_mem>>)
    %dma_start3A_30 = arith.constant 128 : i32
    %dma_start3A_31 = arith.constant 0 : i32
    %dma_start3A_32 = tpu.memref_slice %arg11[%dma_start3A_30, %dma_start3A_31] : memref<256x128xf32, #tpu.memory_space<vmem>> -> memref<128x128xf32, #tpu.memory_space<vmem>>
    %dma_start3A_33 = arith.constant 128 : i32
    %dma_start3A_34 = tpu.memref_slice %arg9[%dma_start3A_33] : memref<256xi32, #tpu.memory_space<vmem>> -> memref<128xi32, #tpu.memory_space<vmem>>
    %dma_start3A_35 = arith.constant 0 : i32
    %dma_start3A_36 = arith.constant 0 : i32
    %dma_start3A_37 = tpu.memref_slice %arg3[%dma_start3A_35, %dma_start3A_36] : memref<1000000x128xf32, #tpu.memory_space<hbm>> -> memref<1000000x128xf32, #tpu.memory_space<hbm>>
    tpu.enqueue_indirect_dma source(%dma_start3A_37 : memref<1000000x128xf32, #tpu.memory_space<hbm>>) target(%dma_start3A_32 : memref<128x128xf32, #tpu.memory_space<vmem>>) offsets(%dma_start3A_34 : memref<128xi32, #tpu.memory_space<vmem>>) semaphore(%arg15 : memref<!tpu.dma_semaphore, #tpu.memory_space<semaphore_mem>>)
    %dma_wait3A = arith.constant 0 : i32
    %dma_wait3A_38 = arith.constant 0 : i32
    %dma_wait3A_39 = tpu.memref_slice %arg10[%dma_wait3A, %dma_wait3A_38] : memref<256x128xf32, #tpu.memory_space<vmem>> -> memref<128x128xf32, #tpu.memory_space<vmem>>
    %dma_wait3A_40 = arith.constant 0 : i32
    %dma_wait3A_41 = tpu.memref_slice %arg8[%dma_wait3A_40] : memref<256xi32, #tpu.memory_space<vmem>> -> memref<128xi32, #tpu.memory_space<vmem>>
    %dma_wait3A_42 = arith.constant 0 : i32
    %dma_wait3A_43 = arith.constant 0 : i32
    %dma_wait3A_44 = tpu.memref_slice %arg2[%dma_wait3A_42, %dma_wait3A_43] : memref<1000000x128xf32, #tpu.memory_space<hbm>> -> memref<1000000x128xf32, #tpu.memory_space<hbm>>
    tpu.wait_indirect_dma semaphore(%arg12 : memref<!tpu.dma_semaphore, #tpu.memory_space<semaphore_mem>>) src(%dma_wait3A_44 : memref<1000000x128xf32, #tpu.memory_space<hbm>>) dst(%dma_wait3A_39 : memref<128x128xf32, #tpu.memory_space<vmem>>)
    %add3A_45 = arith.constant 0 : i32
    %add3A_46 = arith.addi %mul3A_6, %add3A_45 : i32
    "tpu.region"() ({
      %run_scoped3A = tpu.sem_alloc : memref<!tpu.dma_semaphore, #tpu.memory_space<semaphore_mem>>
      %dma_start3A_77 = arith.constant 0 : i32
      %dma_start3A_78 = arith.constant 0 : i32
      %dma_start3A_79 = tpu.memref_slice %arg10[%dma_start3A_77, %dma_start3A_78] : memref<256x128xf32, #tpu.memory_space<vmem>> -> memref<128x128xf32, #tpu.memory_space<vmem>>
      %dma_start3A_80 = arith.constant 0 : i32
      %dma_start3A_81 = tpu.memref_slice %arg6[%add3A_46, %dma_start3A_80] : memref<8192x128xf32, #tpu.memory_space<hbm>> -> memref<128x128xf32, #tpu.memory_space<hbm>>
      %dma_start3A_82 = arith.constant 0 : i32
      %dma_start3A_83 = tpu.memref_slice %arg6[%add3A_46, %dma_start3A_82] : memref<8192x128xf32, #tpu.memory_space<hbm>> -> memref<128x128xf32, #tpu.memory_space<hbm>>
      %dma_start3A_84 = arith.constant 0 : i32
      %dma_start3A_85 = arith.constant 0 : i32
      %dma_start3A_86 = tpu.memref_slice %arg10[%dma_start3A_84, %dma_start3A_85] : memref<256x128xf32, #tpu.memory_space<vmem>> -> memref<128x128xf32, #tpu.memory_space<vmem>>
      tpu.enqueue_dma source(%dma_start3A_86 : memref<128x128xf32, #tpu.memory_space<vmem>>) target(%dma_start3A_83 : memref<128x128xf32, #tpu.memory_space<hbm>>) target_semaphore(%run_scoped3A : memref<!tpu.dma_semaphore, #tpu.memory_space<semaphore_mem>>)
      %dma_wait3A_87 = arith.constant 0 : i32
      %dma_wait3A_88 = arith.constant 0 : i32
      %dma_wait3A_89 = tpu.memref_slice %arg10[%dma_wait3A_87, %dma_wait3A_88] : memref<256x128xf32, #tpu.memory_space<vmem>> -> memref<128x128xf32, #tpu.memory_space<vmem>>
      %dma_wait3A_90 = arith.constant 0 : i32
      %dma_wait3A_91 = tpu.memref_slice %arg6[%add3A_46, %dma_wait3A_90] : memref<8192x128xf32, #tpu.memory_space<hbm>> -> memref<128x128xf32, #tpu.memory_space<hbm>>
      %dma_wait3A_92 = arith.constant 0 : i32
      %dma_wait3A_93 = tpu.memref_slice %arg6[%add3A_46, %dma_wait3A_92] : memref<8192x128xf32, #tpu.memory_space<hbm>> -> memref<128x128xf32, #tpu.memory_space<hbm>>
      %dma_wait3A_94 = arith.constant 0 : i32
      %dma_wait3A_95 = arith.constant 0 : i32
      %dma_wait3A_96 = tpu.memref_slice %arg10[%dma_wait3A_94, %dma_wait3A_95] : memref<256x128xf32, #tpu.memory_space<vmem>> -> memref<128x128xf32, #tpu.memory_space<vmem>>
      tpu.wait_dma2 semaphore(%run_scoped3A : memref<!tpu.dma_semaphore, #tpu.memory_space<semaphore_mem>>) src(%dma_wait3A_96 : memref<128x128xf32, #tpu.memory_space<vmem>>) dst(%dma_wait3A_93 : memref<128x128xf32, #tpu.memory_space<hbm>>)
      tpu.yield
    }) : () -> ()
    %dma_wait3A_47 = arith.constant 128 : i32
    %dma_wait3A_48 = arith.constant 0 : i32
    %dma_wait3A_49 = tpu.memref_slice %arg10[%dma_wait3A_47, %dma_wait3A_48] : memref<256x128xf32, #tpu.memory_space<vmem>> -> memref<128x128xf32, #tpu.memory_space<vmem>>
    %dma_wait3A_50 = arith.constant 128 : i32
    %dma_wait3A_51 = tpu.memref_slice %arg8[%dma_wait3A_50] : memref<256xi32, #tpu.memory_space<vmem>> -> memref<128xi32, #tpu.memory_space<vmem>>
    %dma_wait3A_52 = arith.constant 0 : i32
    %dma_wait3A_53 = arith.constant 0 : i32
    %dma_wait3A_54 = tpu.memref_slice %arg2[%dma_wait3A_52, %dma_wait3A_53] : memref<1000000x128xf32, #tpu.memory_space<hbm>> -> memref<1000000x128xf32, #tpu.memory_space<hbm>>
    tpu.wait_indirect_dma semaphore(%arg13 : memref<!tpu.dma_semaphore, #tpu.memory_space<semaphore_mem>>) src(%dma_wait3A_54 : memref<1000000x128xf32, #tpu.memory_space<hbm>>) dst(%dma_wait3A_49 : memref<128x128xf32, #tpu.memory_space<vmem>>)
    %add3A_55 = arith.constant 128 : i32
    %add3A_56 = arith.addi %mul3A_6, %add3A_55 : i32
    "tpu.region"() ({
      %run_scoped3A = tpu.sem_alloc : memref<!tpu.dma_semaphore, #tpu.memory_space<semaphore_mem>>
      %dma_start3A_77 = arith.constant 128 : i32
      %dma_start3A_78 = arith.constant 0 : i32
      %dma_start3A_79 = tpu.memref_slice %arg10[%dma_start3A_77, %dma_start3A_78] : memref<256x128xf32, #tpu.memory_space<vmem>> -> memref<128x128xf32, #tpu.memory_space<vmem>>
      %dma_start3A_80 = arith.constant 0 : i32
      %dma_start3A_81 = tpu.memref_slice %arg6[%add3A_56, %dma_start3A_80] : memref<8192x128xf32, #tpu.memory_space<hbm>> -> memref<128x128xf32, #tpu.memory_space<hbm>>
      %dma_start3A_82 = arith.constant 0 : i32
      %dma_start3A_83 = tpu.memref_slice %arg6[%add3A_56, %dma_start3A_82] : memref<8192x128xf32, #tpu.memory_space<hbm>> -> memref<128x128xf32, #tpu.memory_space<hbm>>
      %dma_start3A_84 = arith.constant 128 : i32
      %dma_start3A_85 = arith.constant 0 : i32
      %dma_start3A_86 = tpu.memref_slice %arg10[%dma_start3A_84, %dma_start3A_85] : memref<256x128xf32, #tpu.memory_space<vmem>> -> memref<128x128xf32, #tpu.memory_space<vmem>>
      tpu.enqueue_dma source(%dma_start3A_86 : memref<128x128xf32, #tpu.memory_space<vmem>>) target(%dma_start3A_83 : memref<128x128xf32, #tpu.memory_space<hbm>>) target_semaphore(%run_scoped3A : memref<!tpu.dma_semaphore, #tpu.memory_space<semaphore_mem>>)
      %dma_wait3A_87 = arith.constant 128 : i32
      %dma_wait3A_88 = arith.constant 0 : i32
      %dma_wait3A_89 = tpu.memref_slice %arg10[%dma_wait3A_87, %dma_wait3A_88] : memref<256x128xf32, #tpu.memory_space<vmem>> -> memref<128x128xf32, #tpu.memory_space<vmem>>
      %dma_wait3A_90 = arith.constant 0 : i32
      %dma_wait3A_91 = tpu.memref_slice %arg6[%add3A_56, %dma_wait3A_90] : memref<8192x128xf32, #tpu.memory_space<hbm>> -> memref<128x128xf32, #tpu.memory_space<hbm>>
      %dma_wait3A_92 = arith.constant 0 : i32
      %dma_wait3A_93 = tpu.memref_slice %arg6[%add3A_56, %dma_wait3A_92] : memref<8192x128xf32, #tpu.memory_space<hbm>> -> memref<128x128xf32, #tpu.memory_space<hbm>>
      %dma_wait3A_94 = arith.constant 128 : i32
      %dma_wait3A_95 = arith.constant 0 : i32
      %dma_wait3A_96 = tpu.memref_slice %arg10[%dma_wait3A_94, %dma_wait3A_95] : memref<256x128xf32, #tpu.memory_space<vmem>> -> memref<128x128xf32, #tpu.memory_space<vmem>>
      tpu.wait_dma2 semaphore(%run_scoped3A : memref<!tpu.dma_semaphore, #tpu.memory_space<semaphore_mem>>) src(%dma_wait3A_96 : memref<128x128xf32, #tpu.memory_space<vmem>>) dst(%dma_wait3A_93 : memref<128x128xf32, #tpu.memory_space<hbm>>)
      tpu.yield
    }) : () -> ()
    %dma_wait3A_57 = arith.constant 0 : i32
    %dma_wait3A_58 = arith.constant 0 : i32
    %dma_wait3A_59 = tpu.memref_slice %arg11[%dma_wait3A_57, %dma_wait3A_58] : memref<256x128xf32, #tpu.memory_space<vmem>> -> memref<128x128xf32, #tpu.memory_space<vmem>>
    %dma_wait3A_60 = arith.constant 0 : i32
    %dma_wait3A_61 = tpu.memref_slice %arg9[%dma_wait3A_60] : memref<256xi32, #tpu.memory_space<vmem>> -> memref<128xi32, #tpu.memory_space<vmem>>
    %dma_wait3A_62 = arith.constant 0 : i32
    %dma_wait3A_63 = arith.constant 0 : i32
    %dma_wait3A_64 = tpu.memref_slice %arg3[%dma_wait3A_62, %dma_wait3A_63] : memref<1000000x128xf32, #tpu.memory_space<hbm>> -> memref<1000000x128xf32, #tpu.memory_space<hbm>>
    tpu.wait_indirect_dma semaphore(%arg14 : memref<!tpu.dma_semaphore, #tpu.memory_space<semaphore_mem>>) src(%dma_wait3A_64 : memref<1000000x128xf32, #tpu.memory_space<hbm>>) dst(%dma_wait3A_59 : memref<128x128xf32, #tpu.memory_space<vmem>>)
    %add3A_65 = arith.constant 0 : i32
    %add3A_66 = arith.addi %mul3A_6, %add3A_65 : i32
    "tpu.region"() ({
      %run_scoped3A = tpu.sem_alloc : memref<!tpu.dma_semaphore, #tpu.memory_space<semaphore_mem>>
      %dma_start3A_77 = arith.constant 0 : i32
      %dma_start3A_78 = arith.constant 0 : i32
      %dma_start3A_79 = tpu.memref_slice %arg11[%dma_start3A_77, %dma_start3A_78] : memref<256x128xf32, #tpu.memory_space<vmem>> -> memref<128x128xf32, #tpu.memory_space<vmem>>
      %dma_start3A_80 = arith.constant 0 : i32
      %dma_start3A_81 = tpu.memref_slice %arg7[%add3A_66, %dma_start3A_80] : memref<8192x128xf32, #tpu.memory_space<hbm>> -> memref<128x128xf32, #tpu.memory_space<hbm>>
      %dma_start3A_82 = arith.constant 0 : i32
      %dma_start3A_83 = tpu.memref_slice %arg7[%add3A_66, %dma_start3A_82] : memref<8192x128xf32, #tpu.memory_space<hbm>> -> memref<128x128xf32, #tpu.memory_space<hbm>>
      %dma_start3A_84 = arith.constant 0 : i32
      %dma_start3A_85 = arith.constant 0 : i32
      %dma_start3A_86 = tpu.memref_slice %arg11[%dma_start3A_84, %dma_start3A_85] : memref<256x128xf32, #tpu.memory_space<vmem>> -> memref<128x128xf32, #tpu.memory_space<vmem>>
      tpu.enqueue_dma source(%dma_start3A_86 : memref<128x128xf32, #tpu.memory_space<vmem>>) target(%dma_start3A_83 : memref<128x128xf32, #tpu.memory_space<hbm>>) target_semaphore(%run_scoped3A : memref<!tpu.dma_semaphore, #tpu.memory_space<semaphore_mem>>)
      %dma_wait3A_87 = arith.constant 0 : i32
      %dma_wait3A_88 = arith.constant 0 : i32
      %dma_wait3A_89 = tpu.memref_slice %arg11[%dma_wait3A_87, %dma_wait3A_88] : memref<256x128xf32, #tpu.memory_space<vmem>> -> memref<128x128xf32, #tpu.memory_space<vmem>>
      %dma_wait3A_90 = arith.constant 0 : i32
      %dma_wait3A_91 = tpu.memref_slice %arg7[%add3A_66, %dma_wait3A_90] : memref<8192x128xf32, #tpu.memory_space<hbm>> -> memref<128x128xf32, #tpu.memory_space<hbm>>
      %dma_wait3A_92 = arith.constant 0 : i32
      %dma_wait3A_93 = tpu.memref_slice %arg7[%add3A_66, %dma_wait3A_92] : memref<8192x128xf32, #tpu.memory_space<hbm>> -> memref<128x128xf32, #tpu.memory_space<hbm>>
      %dma_wait3A_94 = arith.constant 0 : i32
      %dma_wait3A_95 = arith.constant 0 : i32
      %dma_wait3A_96 = tpu.memref_slice %arg11[%dma_wait3A_94, %dma_wait3A_95] : memref<256x128xf32, #tpu.memory_space<vmem>> -> memref<128x128xf32, #tpu.memory_space<vmem>>
      tpu.wait_dma2 semaphore(%run_scoped3A : memref<!tpu.dma_semaphore, #tpu.memory_space<semaphore_mem>>) src(%dma_wait3A_96 : memref<128x128xf32, #tpu.memory_space<vmem>>) dst(%dma_wait3A_93 : memref<128x128xf32, #tpu.memory_space<hbm>>)
      tpu.yield
    }) : () -> ()
    %dma_wait3A_67 = arith.constant 128 : i32
    %dma_wait3A_68 = arith.constant 0 : i32
    %dma_wait3A_69 = tpu.memref_slice %arg11[%dma_wait3A_67, %dma_wait3A_68] : memref<256x128xf32, #tpu.memory_space<vmem>> -> memref<128x128xf32, #tpu.memory_space<vmem>>
    %dma_wait3A_70 = arith.constant 128 : i32
    %dma_wait3A_71 = tpu.memref_slice %arg9[%dma_wait3A_70] : memref<256xi32, #tpu.memory_space<vmem>> -> memref<128xi32, #tpu.memory_space<vmem>>
    %dma_wait3A_72 = arith.constant 0 : i32
    %dma_wait3A_73 = arith.constant 0 : i32
    %dma_wait3A_74 = tpu.memref_slice %arg3[%dma_wait3A_72, %dma_wait3A_73] : memref<1000000x128xf32, #tpu.memory_space<hbm>> -> memref<1000000x128xf32, #tpu.memory_space<hbm>>
    tpu.wait_indirect_dma semaphore(%arg15 : memref<!tpu.dma_semaphore, #tpu.memory_space<semaphore_mem>>) src(%dma_wait3A_74 : memref<1000000x128xf32, #tpu.memory_space<hbm>>) dst(%dma_wait3A_69 : memref<128x128xf32, #tpu.memory_space<vmem>>)
    %add3A_75 = arith.constant 128 : i32
    %add3A_76 = arith.addi %mul3A_6, %add3A_75 : i32
    "tpu.region"() ({
      %run_scoped3A = tpu.sem_alloc : memref<!tpu.dma_semaphore, #tpu.memory_space<semaphore_mem>>
      %dma_start3A_77 = arith.constant 128 : i32
      %dma_start3A_78 = arith.constant 0 : i32
      %dma_start3A_79 = tpu.memref_slice %arg11[%dma_start3A_77, %dma_start3A_78] : memref<256x128xf32, #tpu.memory_space<vmem>> -> memref<128x128xf32, #tpu.memory_space<vmem>>
      %dma_start3A_80 = arith.constant 0 : i32
      %dma_start3A_81 = tpu.memref_slice %arg7[%add3A_76, %dma_start3A_80] : memref<8192x128xf32, #tpu.memory_space<hbm>> -> memref<128x128xf32, #tpu.memory_space<hbm>>
      %dma_start3A_82 = arith.constant 0 : i32
      %dma_start3A_83 = tpu.memref_slice %arg7[%add3A_76, %dma_start3A_82] : memref<8192x128xf32, #tpu.memory_space<hbm>> -> memref<128x128xf32, #tpu.memory_space<hbm>>
      %dma_start3A_84 = arith.constant 128 : i32
      %dma_start3A_85 = arith.constant 0 : i32
      %dma_start3A_86 = tpu.memref_slice %arg11[%dma_start3A_84, %dma_start3A_85] : memref<256x128xf32, #tpu.memory_space<vmem>> -> memref<128x128xf32, #tpu.memory_space<vmem>>
      tpu.enqueue_dma source(%dma_start3A_86 : memref<128x128xf32, #tpu.memory_space<vmem>>) target(%dma_start3A_83 : memref<128x128xf32, #tpu.memory_space<hbm>>) target_semaphore(%run_scoped3A : memref<!tpu.dma_semaphore, #tpu.memory_space<semaphore_mem>>)
      %dma_wait3A_87 = arith.constant 128 : i32
      %dma_wait3A_88 = arith.constant 0 : i32
      %dma_wait3A_89 = tpu.memref_slice %arg11[%dma_wait3A_87, %dma_wait3A_88] : memref<256x128xf32, #tpu.memory_space<vmem>> -> memref<128x128xf32, #tpu.memory_space<vmem>>
      %dma_wait3A_90 = arith.constant 0 : i32
      %dma_wait3A_91 = tpu.memref_slice %arg7[%add3A_76, %dma_wait3A_90] : memref<8192x128xf32, #tpu.memory_space<hbm>> -> memref<128x128xf32, #tpu.memory_space<hbm>>
      %dma_wait3A_92 = arith.constant 0 : i32
      %dma_wait3A_93 = tpu.memref_slice %arg7[%add3A_76, %dma_wait3A_92] : memref<8192x128xf32, #tpu.memory_space<hbm>> -> memref<128x128xf32, #tpu.memory_space<hbm>>
      %dma_wait3A_94 = arith.constant 128 : i32
      %dma_wait3A_95 = arith.constant 0 : i32
      %dma_wait3A_96 = tpu.memref_slice %arg11[%dma_wait3A_94, %dma_wait3A_95] : memref<256x128xf32, #tpu.memory_space<vmem>> -> memref<128x128xf32, #tpu.memory_space<vmem>>
      tpu.wait_dma2 semaphore(%run_scoped3A : memref<!tpu.dma_semaphore, #tpu.memory_space<semaphore_mem>>) src(%dma_wait3A_96 : memref<128x128xf32, #tpu.memory_space<vmem>>) dst(%dma_wait3A_93 : memref<128x128xf32, #tpu.memory_space<hbm>>)
      tpu.yield
    }) : () -> ()
    return
  }
}

module attributes {stable_mosaic.version = 14 : i64} {
  func.func @_mlp_body(%arg0: i32, %arg1: memref<4096x128xf32, #tpu.memory_space<vmem>>, %arg2: memref<4096x128xf32, #tpu.memory_space<vmem>>, %arg3: memref<256x128xf32, #tpu.memory_space<vmem>>, %arg4: memref<128xf32, #tpu.memory_space<vmem>>, %arg5: memref<128x64xf32, #tpu.memory_space<vmem>>, %arg6: memref<64xf32, #tpu.memory_space<vmem>>, %arg7: memref<64x32xf32, #tpu.memory_space<vmem>>, %arg8: memref<32xf32, #tpu.memory_space<vmem>>, %arg9: memref<32x16xf32, #tpu.memory_space<vmem>>, %arg10: memref<16xf32, #tpu.memory_space<vmem>>, %arg11: memref<16x1xf32, #tpu.memory_space<vmem>>, %arg12: memref<1xf32, #tpu.memory_space<vmem>>, %arg13: memref<4096xf32, #tpu.memory_space<vmem>>) attributes {dimension_semantics = [#tpu.dimension_semantics<arbitrary>], iteration_bounds = array<i64: 2>, scalar_prefetch = 0 : i64, scratch_operands = 0 : i64, tpu.core_type = #tpu.core_type<tc>, window_params = [{transform_indices = @transform_0, window_bounds = array<i64: 4096, 128>}, {transform_indices = @transform_1, window_bounds = array<i64: 4096, 128>}, {pipeline_mode = #tpu.pipeline_mode<synchronous>, transform_indices = @transform_2, window_bounds = array<i64: 256, 128>}, {pipeline_mode = #tpu.pipeline_mode<synchronous>, transform_indices = @transform_3, window_bounds = array<i64: 128>}, {pipeline_mode = #tpu.pipeline_mode<synchronous>, transform_indices = @transform_4, window_bounds = array<i64: 128, 64>}, {pipeline_mode = #tpu.pipeline_mode<synchronous>, transform_indices = @transform_5, window_bounds = array<i64: 64>}, {pipeline_mode = #tpu.pipeline_mode<synchronous>, transform_indices = @transform_6, window_bounds = array<i64: 64, 32>}, {pipeline_mode = #tpu.pipeline_mode<synchronous>, transform_indices = @transform_7, window_bounds = array<i64: 32>}, {pipeline_mode = #tpu.pipeline_mode<synchronous>, transform_indices = @transform_8, window_bounds = array<i64: 32, 16>}, {pipeline_mode = #tpu.pipeline_mode<synchronous>, transform_indices = @transform_9, window_bounds = array<i64: 16>}, {pipeline_mode = #tpu.pipeline_mode<synchronous>, transform_indices = @transform_10, window_bounds = array<i64: 16, 1>}, {pipeline_mode = #tpu.pipeline_mode<synchronous>, transform_indices = @transform_11, window_bounds = array<i64: 1>}, {transform_indices = @transform_12, window_bounds = array<i64: 4096>}]} {
    %get3A = arith.constant 0 : index
    %get3A_0 = arith.constant 0 : index
    %get3A_1 = vector.load %arg1[%get3A, %get3A_0] : memref<4096x128xf32, #tpu.memory_space<vmem>>, vector<4096x128xf32>
    %get3A_2 = arith.constant 0 : index
    %get3A_3 = arith.constant 0 : index
    %get3A_4 = vector.load %arg3[%get3A_2, %get3A_3] : memref<256x128xf32, #tpu.memory_space<vmem>>, vector<128x128xf32>
    %dot_general3A = arith.constant dense<0.000000e+00> : vector<4096x128xf32>
    %dot_general3A_5 = tpu.matmul %get3A_1, %get3A_4, %dot_general3A {dimension_numbers = #tpu.dot_dimension_numbers<[1], [0], [0], [1], [0, 0, 1, 1], [], []>, transpose_lhs_hint = false} : vector<4096x128xf32>, vector<128x128xf32>, vector<4096x128xf32> -> vector<4096x128xf32>
    %get3A_6 = arith.constant 0 : index
    %get3A_7 = arith.constant 0 : index
    %get3A_8 = vector.load %arg2[%get3A_6, %get3A_7] : memref<4096x128xf32, #tpu.memory_space<vmem>>, vector<4096x128xf32>
    %get3A_9 = arith.constant 128 : index
    %get3A_10 = arith.constant 0 : index
    %get3A_11 = vector.load %arg3[%get3A_9, %get3A_10] : memref<256x128xf32, #tpu.memory_space<vmem>>, vector<128x128xf32>
    %dot_general3A_12 = arith.constant dense<0.000000e+00> : vector<4096x128xf32>
    %dot_general3A_13 = tpu.matmul %get3A_8, %get3A_11, %dot_general3A_12 {dimension_numbers = #tpu.dot_dimension_numbers<[1], [0], [0], [1], [0, 0, 1, 1], [], []>, transpose_lhs_hint = false} : vector<4096x128xf32>, vector<128x128xf32>, vector<4096x128xf32> -> vector<4096x128xf32>
    %add3A = arith.addf %dot_general3A_5, %dot_general3A_13 : vector<4096x128xf32>
    %get3A_14 = arith.constant 0 : index
    %get3A_15 = vector.load %arg4[%get3A_14] : memref<128xf32, #tpu.memory_space<vmem>>, vector<128xf32>
    %broadcast_in_dim3A = vector.shape_cast %get3A_15 : vector<128xf32> to vector<1x128xf32>
    %add3A_16 = vector.broadcast %broadcast_in_dim3A : vector<1x128xf32> to vector<4096x128xf32>
    %add3A_17 = arith.addf %add3A, %add3A_16 : vector<4096x128xf32>
    %max3A = arith.constant 0.000000e+00 : f32
    %max3A_18 = vector.broadcast %max3A : f32 to vector<4096x128xf32>
    %max3A_19 = arith.maximumf %add3A_17, %max3A_18 : vector<4096x128xf32>
    %get3A_20 = arith.constant 0 : index
    %get3A_21 = arith.constant 0 : index
    %get3A_22 = vector.load %arg5[%get3A_20, %get3A_21] : memref<128x64xf32, #tpu.memory_space<vmem>>, vector<128x64xf32>
    %dot_general3A_23 = arith.constant dense<0.000000e+00> : vector<4096x64xf32>
    %dot_general3A_24 = tpu.matmul %max3A_19, %get3A_22, %dot_general3A_23 {dimension_numbers = #tpu.dot_dimension_numbers<[1], [0], [0], [1], [0, 0, 1, 1], [], []>, transpose_lhs_hint = false} : vector<4096x128xf32>, vector<128x64xf32>, vector<4096x64xf32> -> vector<4096x64xf32>
    %get3A_25 = arith.constant 0 : index
    %get3A_26 = vector.load %arg6[%get3A_25] : memref<64xf32, #tpu.memory_space<vmem>>, vector<64xf32>
    %broadcast_in_dim3A_27 = vector.shape_cast %get3A_26 : vector<64xf32> to vector<1x64xf32>
    %add3A_28 = vector.broadcast %broadcast_in_dim3A_27 : vector<1x64xf32> to vector<4096x64xf32>
    %add3A_29 = arith.addf %dot_general3A_24, %add3A_28 : vector<4096x64xf32>
    %max3A_30 = arith.constant 0.000000e+00 : f32
    %max3A_31 = vector.broadcast %max3A_30 : f32 to vector<4096x64xf32>
    %max3A_32 = arith.maximumf %add3A_29, %max3A_31 : vector<4096x64xf32>
    %get3A_33 = arith.constant 0 : index
    %get3A_34 = arith.constant 0 : index
    %get3A_35 = vector.load %arg7[%get3A_33, %get3A_34] : memref<64x32xf32, #tpu.memory_space<vmem>>, vector<64x32xf32>
    %dot_general3A_36 = arith.constant dense<0.000000e+00> : vector<4096x32xf32>
    %dot_general3A_37 = tpu.matmul %max3A_32, %get3A_35, %dot_general3A_36 {dimension_numbers = #tpu.dot_dimension_numbers<[1], [0], [0], [1], [0, 0, 1, 1], [], []>, transpose_lhs_hint = false} : vector<4096x64xf32>, vector<64x32xf32>, vector<4096x32xf32> -> vector<4096x32xf32>
    %get3A_38 = arith.constant 0 : index
    %get3A_39 = vector.load %arg8[%get3A_38] : memref<32xf32, #tpu.memory_space<vmem>>, vector<32xf32>
    %broadcast_in_dim3A_40 = vector.shape_cast %get3A_39 : vector<32xf32> to vector<1x32xf32>
    %add3A_41 = vector.broadcast %broadcast_in_dim3A_40 : vector<1x32xf32> to vector<4096x32xf32>
    %add3A_42 = arith.addf %dot_general3A_37, %add3A_41 : vector<4096x32xf32>
    %max3A_43 = arith.constant 0.000000e+00 : f32
    %max3A_44 = vector.broadcast %max3A_43 : f32 to vector<4096x32xf32>
    %max3A_45 = arith.maximumf %add3A_42, %max3A_44 : vector<4096x32xf32>
    %get3A_46 = arith.constant 0 : index
    %get3A_47 = arith.constant 0 : index
    %get3A_48 = vector.load %arg9[%get3A_46, %get3A_47] : memref<32x16xf32, #tpu.memory_space<vmem>>, vector<32x16xf32>
    %dot_general3A_49 = arith.constant dense<0.000000e+00> : vector<4096x16xf32>
    %dot_general3A_50 = tpu.matmul %max3A_45, %get3A_48, %dot_general3A_49 {dimension_numbers = #tpu.dot_dimension_numbers<[1], [0], [0], [1], [0, 0, 1, 1], [], []>, transpose_lhs_hint = false} : vector<4096x32xf32>, vector<32x16xf32>, vector<4096x16xf32> -> vector<4096x16xf32>
    %get3A_51 = arith.constant 0 : index
    %get3A_52 = vector.load %arg10[%get3A_51] : memref<16xf32, #tpu.memory_space<vmem>>, vector<16xf32>
    %broadcast_in_dim3A_53 = vector.shape_cast %get3A_52 : vector<16xf32> to vector<1x16xf32>
    %add3A_54 = vector.broadcast %broadcast_in_dim3A_53 : vector<1x16xf32> to vector<4096x16xf32>
    %add3A_55 = arith.addf %dot_general3A_50, %add3A_54 : vector<4096x16xf32>
    %max3A_56 = arith.constant 0.000000e+00 : f32
    %max3A_57 = vector.broadcast %max3A_56 : f32 to vector<4096x16xf32>
    %max3A_58 = arith.maximumf %add3A_55, %max3A_57 : vector<4096x16xf32>
    %get3A_59 = arith.constant 0 : index
    %get3A_60 = arith.constant 0 : index
    %get3A_61 = vector.load %arg11[%get3A_59, %get3A_60] : memref<16x1xf32, #tpu.memory_space<vmem>>, vector<16x1xf32>
    %dot_general3A_62 = arith.constant dense<0.000000e+00> : vector<4096x1xf32>
    %dot_general3A_63 = tpu.matmul %max3A_58, %get3A_61, %dot_general3A_62 {dimension_numbers = #tpu.dot_dimension_numbers<[1], [0], [0], [1], [0, 0, 1, 1], [], []>, transpose_lhs_hint = false} : vector<4096x16xf32>, vector<16x1xf32>, vector<4096x1xf32> -> vector<4096x1xf32>
    %get3A_64 = arith.constant 0 : index
    %get3A_65 = vector.load %arg12[%get3A_64] : memref<1xf32, #tpu.memory_space<vmem>>, vector<1xf32>
    %broadcast_in_dim3A_66 = vector.shape_cast %get3A_65 : vector<1xf32> to vector<1x1xf32>
    %add3A_67 = vector.broadcast %broadcast_in_dim3A_66 : vector<1x1xf32> to vector<4096x1xf32>
    %add3A_68 = arith.addf %dot_general3A_63, %add3A_67 : vector<4096x1xf32>
    %reshape3A = vector.shape_cast %add3A_68 : vector<4096x1xf32> to vector<4096xf32>
    %swap3A = arith.constant 0 : index
    %swap3A_69 = vector.load %arg13[%swap3A] : memref<4096xf32, #tpu.memory_space<vmem>>, vector<4096xf32>
    tpu.vector_store %arg13[%swap3A], %reshape3A {strides = array<i32>} : memref<4096xf32, #tpu.memory_space<vmem>>, vector<4096xf32>,
    return
  }
  func.func @transform_0(%arg0: i32) -> (i32, i32) {
    %c0_i32 = arith.constant 0 : i32
    %c0_i32_0 = arith.constant 0 : i32
    return %arg0, %c0_i32 : i32, i32
  }
  func.func @transform_1(%arg0: i32) -> (i32, i32) {
    %c0_i32 = arith.constant 0 : i32
    %c0_i32_0 = arith.constant 0 : i32
    return %arg0, %c0_i32 : i32, i32
  }
  func.func @transform_2(%arg0: i32) -> (i32, i32) {
    %c0_i32 = arith.constant 0 : i32
    %c0_i32_0 = arith.constant 0 : i32
    %c0_i32_1 = arith.constant 0 : i32
    return %c0_i32, %c0_i32_0 : i32, i32
  }
  func.func @transform_3(%arg0: i32) -> i32 {
    %c0_i32 = arith.constant 0 : i32
    %c0_i32_0 = arith.constant 0 : i32
    return %c0_i32 : i32
  }
  func.func @transform_4(%arg0: i32) -> (i32, i32) {
    %c0_i32 = arith.constant 0 : i32
    %c0_i32_0 = arith.constant 0 : i32
    %c0_i32_1 = arith.constant 0 : i32
    return %c0_i32, %c0_i32_0 : i32, i32
  }
  func.func @transform_5(%arg0: i32) -> i32 {
    %c0_i32 = arith.constant 0 : i32
    %c0_i32_0 = arith.constant 0 : i32
    return %c0_i32 : i32
  }
  func.func @transform_6(%arg0: i32) -> (i32, i32) {
    %c0_i32 = arith.constant 0 : i32
    %c0_i32_0 = arith.constant 0 : i32
    %c0_i32_1 = arith.constant 0 : i32
    return %c0_i32, %c0_i32_0 : i32, i32
  }
  func.func @transform_7(%arg0: i32) -> i32 {
    %c0_i32 = arith.constant 0 : i32
    %c0_i32_0 = arith.constant 0 : i32
    return %c0_i32 : i32
  }
  func.func @transform_8(%arg0: i32) -> (i32, i32) {
    %c0_i32 = arith.constant 0 : i32
    %c0_i32_0 = arith.constant 0 : i32
    %c0_i32_1 = arith.constant 0 : i32
    return %c0_i32, %c0_i32_0 : i32, i32
  }
  func.func @transform_9(%arg0: i32) -> i32 {
    %c0_i32 = arith.constant 0 : i32
    %c0_i32_0 = arith.constant 0 : i32
    return %c0_i32 : i32
  }
  func.func @transform_10(%arg0: i32) -> (i32, i32) {
    %c0_i32 = arith.constant 0 : i32
    %c0_i32_0 = arith.constant 0 : i32
    %c0_i32_1 = arith.constant 0 : i32
    return %c0_i32, %c0_i32_0 : i32, i32
  }
  func.func @transform_11(%arg0: i32) -> i32 {
    %c0_i32 = arith.constant 0 : i32
    %c0_i32_0 = arith.constant 0 : i32
    return %c0_i32 : i32
  }
  func.func @transform_12(%arg0: i32) -> i32 {
    %add3A = arith.constant 0 : i32
    %add3A_0 = arith.addi %arg0, %add3A : i32
    %c0_i32 = arith.constant 0 : i32
    return %add3A_0 : i32
  }
}

module attributes {stable_mosaic.version = 14 : i64} {
  func.func @_lambda_(%arg0: i32, %arg1: memref<4096x128xf32, #tpu.memory_space<vmem>>, %arg2: memref<4096x128xf32, #tpu.memory_space<vmem>>, %arg3: memref<256x128xf32, #tpu.memory_space<vmem>>, %arg4: memref<128xf32, #tpu.memory_space<vmem>>, %arg5: memref<128x64xf32, #tpu.memory_space<vmem>>, %arg6: memref<64xf32, #tpu.memory_space<vmem>>, %arg7: memref<64x32xf32, #tpu.memory_space<vmem>>, %arg8: memref<32xf32, #tpu.memory_space<vmem>>, %arg9: memref<32x16xf32, #tpu.memory_space<vmem>>, %arg10: memref<16xf32, #tpu.memory_space<vmem>>, %arg11: memref<16x1xf32, #tpu.memory_space<vmem>>, %arg12: memref<1xf32, #tpu.memory_space<vmem>>, %arg13: memref<16384xf32, #tpu.memory_space<any>>, %arg14: memref<4096xf32, #tpu.memory_space<vmem>>) attributes {dimension_semantics = [#tpu.dimension_semantics<arbitrary>], iteration_bounds = array<i64: 2>, scalar_prefetch = 0 : i64, scratch_operands = 0 : i64, tpu.core_type = #tpu.core_type<tc>, window_params = [{transform_indices = @transform_0, window_bounds = array<i64: 4096, 128>}, {transform_indices = @transform_1, window_bounds = array<i64: 4096, 128>}, {pipeline_mode = #tpu.pipeline_mode<synchronous>, transform_indices = @transform_2, window_bounds = array<i64: 256, 128>}, {pipeline_mode = #tpu.pipeline_mode<synchronous>, transform_indices = @transform_3, window_bounds = array<i64: 128>}, {pipeline_mode = #tpu.pipeline_mode<synchronous>, transform_indices = @transform_4, window_bounds = array<i64: 128, 64>}, {pipeline_mode = #tpu.pipeline_mode<synchronous>, transform_indices = @transform_5, window_bounds = array<i64: 64>}, {pipeline_mode = #tpu.pipeline_mode<synchronous>, transform_indices = @transform_6, window_bounds = array<i64: 64, 32>}, {pipeline_mode = #tpu.pipeline_mode<synchronous>, transform_indices = @transform_7, window_bounds = array<i64: 32>}, {pipeline_mode = #tpu.pipeline_mode<synchronous>, transform_indices = @transform_8, window_bounds = array<i64: 32, 16>}, {pipeline_mode = #tpu.pipeline_mode<synchronous>, transform_indices = @transform_9, window_bounds = array<i64: 16>}, {pipeline_mode = #tpu.pipeline_mode<synchronous>, transform_indices = @transform_10, window_bounds = array<i64: 16, 1>}, {pipeline_mode = #tpu.pipeline_mode<synchronous>, transform_indices = @transform_11, window_bounds = array<i64: 1>}, {}, {transform_indices = @transform_13, window_bounds = array<i64: 4096>}]} {
    %get3A = arith.constant 0 : index
    %get3A_0 = arith.constant 0 : index
    %get3A_1 = vector.load %arg1[%get3A, %get3A_0] : memref<4096x128xf32, #tpu.memory_space<vmem>>, vector<4096x128xf32>
    %get3A_2 = arith.constant 0 : index
    %get3A_3 = arith.constant 0 : index
    %get3A_4 = vector.load %arg3[%get3A_2, %get3A_3] : memref<256x128xf32, #tpu.memory_space<vmem>>, vector<128x128xf32>
    %dot_general3A = arith.constant dense<0.000000e+00> : vector<4096x128xf32>
    %dot_general3A_5 = tpu.matmul %get3A_1, %get3A_4, %dot_general3A {dimension_numbers = #tpu.dot_dimension_numbers<[1], [0], [0], [1], [0, 0, 1, 1], [], []>, transpose_lhs_hint = false} : vector<4096x128xf32>, vector<128x128xf32>, vector<4096x128xf32> -> vector<4096x128xf32>
    %get3A_6 = arith.constant 0 : index
    %get3A_7 = arith.constant 0 : index
    %get3A_8 = vector.load %arg2[%get3A_6, %get3A_7] : memref<4096x128xf32, #tpu.memory_space<vmem>>, vector<4096x128xf32>
    %get3A_9 = arith.constant 128 : index
    %get3A_10 = arith.constant 0 : index
    %get3A_11 = vector.load %arg3[%get3A_9, %get3A_10] : memref<256x128xf32, #tpu.memory_space<vmem>>, vector<128x128xf32>
    %dot_general3A_12 = arith.constant dense<0.000000e+00> : vector<4096x128xf32>
    %dot_general3A_13 = tpu.matmul %get3A_8, %get3A_11, %dot_general3A_12 {dimension_numbers = #tpu.dot_dimension_numbers<[1], [0], [0], [1], [0, 0, 1, 1], [], []>, transpose_lhs_hint = false} : vector<4096x128xf32>, vector<128x128xf32>, vector<4096x128xf32> -> vector<4096x128xf32>
    %add3A = arith.addf %dot_general3A_5, %dot_general3A_13 : vector<4096x128xf32>
    %get3A_14 = arith.constant 0 : index
    %get3A_15 = vector.load %arg4[%get3A_14] : memref<128xf32, #tpu.memory_space<vmem>>, vector<128xf32>
    %broadcast_in_dim3A = vector.shape_cast %get3A_15 : vector<128xf32> to vector<1x128xf32>
    %add3A_16 = vector.broadcast %broadcast_in_dim3A : vector<1x128xf32> to vector<4096x128xf32>
    %add3A_17 = arith.addf %add3A, %add3A_16 : vector<4096x128xf32>
    %max3A = arith.constant 0.000000e+00 : f32
    %max3A_18 = vector.broadcast %max3A : f32 to vector<4096x128xf32>
    %max3A_19 = arith.maximumf %add3A_17, %max3A_18 : vector<4096x128xf32>
    %get3A_20 = arith.constant 0 : index
    %get3A_21 = arith.constant 0 : index
    %get3A_22 = vector.load %arg5[%get3A_20, %get3A_21] : memref<128x64xf32, #tpu.memory_space<vmem>>, vector<128x64xf32>
    %dot_general3A_23 = arith.constant dense<0.000000e+00> : vector<4096x64xf32>
    %dot_general3A_24 = tpu.matmul %max3A_19, %get3A_22, %dot_general3A_23 {dimension_numbers = #tpu.dot_dimension_numbers<[1], [0], [0], [1], [0, 0, 1, 1], [], []>, transpose_lhs_hint = false} : vector<4096x128xf32>, vector<128x64xf32>, vector<4096x64xf32> -> vector<4096x64xf32>
    %get3A_25 = arith.constant 0 : index
    %get3A_26 = vector.load %arg6[%get3A_25] : memref<64xf32, #tpu.memory_space<vmem>>, vector<64xf32>
    %broadcast_in_dim3A_27 = vector.shape_cast %get3A_26 : vector<64xf32> to vector<1x64xf32>
    %add3A_28 = vector.broadcast %broadcast_in_dim3A_27 : vector<1x64xf32> to vector<4096x64xf32>
    %add3A_29 = arith.addf %dot_general3A_24, %add3A_28 : vector<4096x64xf32>
    %max3A_30 = arith.constant 0.000000e+00 : f32
    %max3A_31 = vector.broadcast %max3A_30 : f32 to vector<4096x64xf32>
    %max3A_32 = arith.maximumf %add3A_29, %max3A_31 : vector<4096x64xf32>
    %get3A_33 = arith.constant 0 : index
    %get3A_34 = arith.constant 0 : index
    %get3A_35 = vector.load %arg7[%get3A_33, %get3A_34] : memref<64x32xf32, #tpu.memory_space<vmem>>, vector<64x32xf32>
    %dot_general3A_36 = arith.constant dense<0.000000e+00> : vector<4096x32xf32>
    %dot_general3A_37 = tpu.matmul %max3A_32, %get3A_35, %dot_general3A_36 {dimension_numbers = #tpu.dot_dimension_numbers<[1], [0], [0], [1], [0, 0, 1, 1], [], []>, transpose_lhs_hint = false} : vector<4096x64xf32>, vector<64x32xf32>, vector<4096x32xf32> -> vector<4096x32xf32>
    %get3A_38 = arith.constant 0 : index
    %get3A_39 = vector.load %arg8[%get3A_38] : memref<32xf32, #tpu.memory_space<vmem>>, vector<32xf32>
    %broadcast_in_dim3A_40 = vector.shape_cast %get3A_39 : vector<32xf32> to vector<1x32xf32>
    %add3A_41 = vector.broadcast %broadcast_in_dim3A_40 : vector<1x32xf32> to vector<4096x32xf32>
    %add3A_42 = arith.addf %dot_general3A_37, %add3A_41 : vector<4096x32xf32>
    %max3A_43 = arith.constant 0.000000e+00 : f32
    %max3A_44 = vector.broadcast %max3A_43 : f32 to vector<4096x32xf32>
    %max3A_45 = arith.maximumf %add3A_42, %max3A_44 : vector<4096x32xf32>
    %get3A_46 = arith.constant 0 : index
    %get3A_47 = arith.constant 0 : index
    %get3A_48 = vector.load %arg9[%get3A_46, %get3A_47] : memref<32x16xf32, #tpu.memory_space<vmem>>, vector<32x16xf32>
    %dot_general3A_49 = arith.constant dense<0.000000e+00> : vector<4096x16xf32>
    %dot_general3A_50 = tpu.matmul %max3A_45, %get3A_48, %dot_general3A_49 {dimension_numbers = #tpu.dot_dimension_numbers<[1], [0], [0], [1], [0, 0, 1, 1], [], []>, transpose_lhs_hint = false} : vector<4096x32xf32>, vector<32x16xf32>, vector<4096x16xf32> -> vector<4096x16xf32>
    %get3A_51 = arith.constant 0 : index
    %get3A_52 = vector.load %arg10[%get3A_51] : memref<16xf32, #tpu.memory_space<vmem>>, vector<16xf32>
    %broadcast_in_dim3A_53 = vector.shape_cast %get3A_52 : vector<16xf32> to vector<1x16xf32>
    %add3A_54 = vector.broadcast %broadcast_in_dim3A_53 : vector<1x16xf32> to vector<4096x16xf32>
    %add3A_55 = arith.addf %dot_general3A_50, %add3A_54 : vector<4096x16xf32>
    %max3A_56 = arith.constant 0.000000e+00 : f32
    %max3A_57 = vector.broadcast %max3A_56 : f32 to vector<4096x16xf32>
    %max3A_58 = arith.maximumf %add3A_55, %max3A_57 : vector<4096x16xf32>
    %get3A_59 = arith.constant 0 : index
    %get3A_60 = arith.constant 0 : index
    %get3A_61 = vector.load %arg11[%get3A_59, %get3A_60] : memref<16x1xf32, #tpu.memory_space<vmem>>, vector<16x1xf32>
    %dot_general3A_62 = arith.constant dense<0.000000e+00> : vector<4096x1xf32>
    %dot_general3A_63 = tpu.matmul %max3A_58, %get3A_61, %dot_general3A_62 {dimension_numbers = #tpu.dot_dimension_numbers<[1], [0], [0], [1], [0, 0, 1, 1], [], []>, transpose_lhs_hint = false} : vector<4096x16xf32>, vector<16x1xf32>, vector<4096x1xf32> -> vector<4096x1xf32>
    %get3A_64 = arith.constant 0 : index
    %get3A_65 = vector.load %arg12[%get3A_64] : memref<1xf32, #tpu.memory_space<vmem>>, vector<1xf32>
    %broadcast_in_dim3A_66 = vector.shape_cast %get3A_65 : vector<1xf32> to vector<1x1xf32>
    %add3A_67 = vector.broadcast %broadcast_in_dim3A_66 : vector<1x1xf32> to vector<4096x1xf32>
    %add3A_68 = arith.addf %dot_general3A_63, %add3A_67 : vector<4096x1xf32>
    %reshape3A = vector.shape_cast %add3A_68 : vector<4096x1xf32> to vector<4096xf32>
    %swap3A = arith.constant 0 : index
    %swap3A_69 = vector.load %arg14[%swap3A] : memref<4096xf32, #tpu.memory_space<vmem>>, vector<4096xf32>
    tpu.vector_store %arg14[%swap3A], %reshape3A {strides = array<i32>} : memref<4096xf32, #tpu.memory_space<vmem>>, vector<4096xf32>,
    return
  }
  func.func @transform_0(%arg0: i32) -> (i32, i32) {
    %c0_i32 = arith.constant 0 : i32
    %c0_i32_0 = arith.constant 0 : i32
    return %arg0, %c0_i32 : i32, i32
  }
  func.func @transform_1(%arg0: i32) -> (i32, i32) {
    %c0_i32 = arith.constant 0 : i32
    %c0_i32_0 = arith.constant 0 : i32
    return %arg0, %c0_i32 : i32, i32
  }
  func.func @transform_2(%arg0: i32) -> (i32, i32) {
    %c0_i32 = arith.constant 0 : i32
    %c0_i32_0 = arith.constant 0 : i32
    %c0_i32_1 = arith.constant 0 : i32
    return %c0_i32, %c0_i32_0 : i32, i32
  }
  func.func @transform_3(%arg0: i32) -> i32 {
    %c0_i32 = arith.constant 0 : i32
    %c0_i32_0 = arith.constant 0 : i32
    return %c0_i32 : i32
  }
  func.func @transform_4(%arg0: i32) -> (i32, i32) {
    %c0_i32 = arith.constant 0 : i32
    %c0_i32_0 = arith.constant 0 : i32
    %c0_i32_1 = arith.constant 0 : i32
    return %c0_i32, %c0_i32_0 : i32, i32
  }
  func.func @transform_5(%arg0: i32) -> i32 {
    %c0_i32 = arith.constant 0 : i32
    %c0_i32_0 = arith.constant 0 : i32
    return %c0_i32 : i32
  }
  func.func @transform_6(%arg0: i32) -> (i32, i32) {
    %c0_i32 = arith.constant 0 : i32
    %c0_i32_0 = arith.constant 0 : i32
    %c0_i32_1 = arith.constant 0 : i32
    return %c0_i32, %c0_i32_0 : i32, i32
  }
  func.func @transform_7(%arg0: i32) -> i32 {
    %c0_i32 = arith.constant 0 : i32
    %c0_i32_0 = arith.constant 0 : i32
    return %c0_i32 : i32
  }
  func.func @transform_8(%arg0: i32) -> (i32, i32) {
    %c0_i32 = arith.constant 0 : i32
    %c0_i32_0 = arith.constant 0 : i32
    %c0_i32_1 = arith.constant 0 : i32
    return %c0_i32, %c0_i32_0 : i32, i32
  }
  func.func @transform_9(%arg0: i32) -> i32 {
    %c0_i32 = arith.constant 0 : i32
    %c0_i32_0 = arith.constant 0 : i32
    return %c0_i32 : i32
  }
  func.func @transform_10(%arg0: i32) -> (i32, i32) {
    %c0_i32 = arith.constant 0 : i32
    %c0_i32_0 = arith.constant 0 : i32
    %c0_i32_1 = arith.constant 0 : i32
    return %c0_i32, %c0_i32_0 : i32, i32
  }
  func.func @transform_11(%arg0: i32) -> i32 {
    %c0_i32 = arith.constant 0 : i32
    %c0_i32_0 = arith.constant 0 : i32
    return %c0_i32 : i32
  }
  func.func @transform_13(%arg0: i32) -> i32 {
    %add3A = arith.constant 2 : i32
    %add3A_0 = arith.addi %arg0, %add3A : i32
    %c0_i32 = arith.constant 0 : i32
    return %add3A_0 : i32
  }
}

</mosaic_0001>

<sc_bundles>
// kernel: kernel.6.cloned.1.call-start
scs
__scs_entry_jumppad:
0x0: {  	(pc) =	sbr.rel $0x88, $3  }
0x1: {  	(tag) =	ssettag $0x0;
	lr =	simm.s32 $0x1  }
0x2: {  	[smem:$0x3F93] =	sst lr;
	_ =	strace $0xD0000000  }
0x3: {  	_ = 	snop  }
0x4: {  	_ = 	snop  }
0x5: {  	_ = 	snop  }
0x6: {  	_ = 	snop  }
0x7: {  	_ = 	snop  }
__scs_overlays_trampoline_lowered:
0x8: {  	[smem:$0x3FA2] =	sst s0  }
0x9: {  	[smem:$0x3FA3] =	sst s1  }
0xa: {  	[smem:$0x3FA4] =	sst s2  }
0xb: {  	[smem:$0x3FA5] =	sst s3  }
0xc: {  	[smem:$0x3FA6] =	sst s4  }
0xd: {  	[smem:$0x3FA7] =	sst s5  }
0xe: {  	[smem:$0x3FA8] =	sst s6  }
0xf: {  	[smem:$0x3FA9] =	sst s7  }
0x10: {  	[smem:$0x3FAA] =	sst s8  }
0x11: {  	[smem:$0x3FAB] =	sst s9;
	s0 =	simm.s32 @!p0 $0x0  }
0x12: {  	s1 =	sld [smem:$0x3F91];
	s0 =	simm.s32 @p0 $0x1  }
0x13: {  	[smem:$0x3FAC] =	sst s0;
	s0 =	simm.s32 @!p1 $0x0  }
0x14: {  	s2 =	sld [smem:$0x3F90];
	s0 =	simm.s32 @p1 $0x1  }
0x15: {  	[smem:$0x3FAD] =	sst s0;
	s0 =	simm.s32 @!p2 $0x0  }
0x16: {  	s3 =	sld [smem:$0x3FDB];
	s0 =	simm.s32 @p2 $0x1  }
0x17: {  	s4 =	simm.s32 $0x1BF5;
	[smem:$0x3FAF] =	sst s0  }
0x18: {  	s0 =	sld [smem:$0x3F92];
	_ =	swait.ge [sflag:s4], $0x0  }
0x19: {  	s7 =	sld [smem:$0x3F93]  }
0x1a: {  	s8 =	sadd.s32 $0xFFFFE003, lr  }
0x1b: {  	s9 =	sadd.s32 $0xFFFFFEF7, lr;
	s5 =	simm.s32 $0xFFFFFFFF;
	p2 =	slt.u32 s8, $0xFFFFF086  }
0x1c: {  	p1 =	slt.u32 s9, $0xF7A;
	s5 =	simm.s32 @!p2 $0x0  }
0x1d: {  	s5 =	simm.s32 @p1 $0x1;
	p0 =	seq.s32 s7, s2  }
0x1e: {  	s7 =	smul.u32 @!p0 $0xF7A, s2;
	p2 =	seq.s32 @!p0 s5, $0x0  }
0x1f: {  	s9 =	smul.u32 $0xF7A, s1;
	s8 =	simm.s32 @!p0 $0x1BF5;
	p2 =	por !p2, p0  }
0x20: {  	[sflag:s8] =	ssyncset.s32 @!p0 $0xFFFFF086;
	s6 =	sadd.s32 @!p0 s3, s7;
	s7 =	simm.s32 @!p0 $0x108  }
0x21: {  	s3 =	sadd.s32 s3, s9;
	s6 =	sadd.s32 @!p0 $0x88, s6;
	s7 =	simm.s32 @p2 $0x1082  }
0x22: {  	[simem:s7], [sflag:s8] =	dma.local @!p0 [hbm:s6], $0xF7A  }
0x23: {  	s9 =	sor.u32 $0xD0000000, s2;
	s6 =	simm.s32 $0x108;
	_ =	swait.ge @!p0 [sflag:s8], $0x0  }
0x24: {  	s3 =	sadd.s32 $0x88, s3;
	s6 =	simm.s32 @!p1 $0x1082;
	[sflag:s4] =	ssyncset.s32 $0xFFFFF086  }
0x25: {  	[simem:s6], [sflag:s4] =	dma.local [hbm:s3], $0xF7A  }
0x26: {  	[smem:$0x3F93] =	sst s1;
	(tag) =	ssettag s2;
	_ =	strace s9  }
0x27: {  	s1 =	sld [smem:$0x3FA3]  }
0x28: {  	s2 =	sld [smem:$0x3FA4]  }
0x29: {  	s4 =	sld [smem:$0x3FA6]  }
0x2a: {  	p0 =	seq.s32 s5, $0x0;
	s5 =	sld [smem:$0x3FA7]  }
0x2b: {  	s6 =	sld [smem:$0x3FA8]  }
0x2c: {  	s7 =	sld [smem:$0x3FA9]  }
0x2d: {  	s3 =	simm.s32 $0x108;
	s8 =	sld [smem:$0x3FAA]  }
0x2e: {  	s3 =	simm.s32 @!p0 $0x1082;
	s9 =	sld [smem:$0x3FAB]  }
0x2f: {  	lr =	sadd.s32 s0, s3;
	s0 =	sld [smem:$0x3FA2]  }
0x30: {  	s3 =	sld [smem:$0x3FA5]  }
0x31: {  	[smem:$0x3FAE] =	sst s10  }
0x32: {  	s10 =	sld [smem:$0x3FAC];
	_ =	sdelay $0x3  }
0x33: {  	p0 =	seq.s32 s10, $0x1;
	s10 =	sld [smem:$0x3FAE];
	_ =	sdelay $0x3  }
0x34: {  	[smem:$0x3FAE] =	sst s10  }
0x35: {  	s10 =	sld [smem:$0x3FAD];
	_ =	sdelay $0x3  }
0x36: {  	p1 =	seq.s32 s10, $0x1;
	s10 =	sld [smem:$0x3FAE];
	_ =	sdelay $0x3  }
0x37: {  	[smem:$0x3FAE] =	sst s10  }
0x38: {  	s10 =	sld [smem:$0x3FAF]  }
0x39: {  	_ = 	snop;
	(pc) =	sbr.ind lr, $3  }
0x3a: {  	_ = 	snop  }
0x3b: {  	_ = 	snop  }
0x3c: {  	p2 =	seq.s32 s10, $0x1;
	s10 =	sld [smem:$0x3FAE]  }
0x3d: {  	_ =	shalt  }
0x3e: {  	_ =	shalt  }
0x3f: {  	_ =	shalt  }
0x40: {  	_ =	shalt  }
0x41: {  	_ =	shalt  }
0x42: {  	_ =	shalt  }
0x43: {  	_ =	shalt  }
0x44: {  	_ =	shalt  }
0x45: {  	_ =	shalt  }
0x46: {  	_ =	shalt  }
0x47: {  	_ =	shalt  }
0x48: {  	_ =	shalt  }
0x49: {  	_ =	shalt  }
0x4a: {  	_ =	shalt  }
0x4b: {  	_ =	shalt  }
0x4c: {  	_ =	shalt  }
0x4d: {  	_ =	shalt  }
0x4e: {  	_ =	shalt  }
0x4f: {  	_ =	shalt  }
0x50: {  	_ =	shalt  }
0x51: {  	_ =	shalt  }
0x52: {  	_ =	shalt  }
0x53: {  	_ =	shalt  }
0x54: {  	_ =	shalt  }
0x55: {  	_ =	shalt  }
0x56: {  	_ =	shalt  }
0x57: {  	_ =	shalt  }
0x58: {  	_ =	shalt  }
0x59: {  	_ =	shalt  }
0x5a: {  	_ =	shalt  }
0x5b: {  	_ =	shalt  }
0x5c: {  	_ =	shalt  }
0x5d: {  	_ =	shalt  }
0x5e: {  	_ =	shalt  }
0x5f: {  	_ =	shalt  }
0x60: {  	_ =	shalt  }
0x61: {  	_ =	shalt  }
0x62: {  	_ =	shalt  }
0x63: {  	_ =	shalt  }
0x64: {  	_ =	shalt  }
0x65: {  	_ =	shalt  }
0x66: {  	_ =	shalt  }
0x67: {  	_ =	shalt  }
0x68: {  	_ =	shalt  }
0x69: {  	_ =	shalt  }
0x6a: {  	_ =	shalt  }
0x6b: {  	_ =	shalt  }
0x6c: {  	_ =	shalt  }
0x6d: {  	_ =	shalt  }
0x6e: {  	_ =	shalt  }
0x6f: {  	_ =	shalt  }
0x70: {  	_ =	shalt  }
0x71: {  	_ =	shalt  }
0x72: {  	_ =	shalt  }
0x73: {  	_ =	shalt  }
0x74: {  	_ =	shalt  }
0x75: {  	_ =	shalt  }
0x76: {  	_ =	shalt  }
0x77: {  	_ =	shalt  }
0x78: {  	_ =	shalt  }
0x79: {  	_ =	shalt  }
0x7a: {  	_ =	shalt  }
0x7b: {  	_ =	shalt  }
0x7c: {  	_ =	shalt  }
0x7d: {  	_ =	shalt  }
0x7e: {  	_ =	shalt  }
0x7f: {  	_ =	shalt  }
0x80: {  	_ =	shalt  }
0x81: {  	_ =	shalt  }
0x82: {  	_ =	shalt  }
0x83: {  	_ =	shalt  }
0x84: {  	_ =	shalt  }
0x85: {  	_ =	shalt  }
0x86: {  	_ =	shalt  }
0x87: {  	_ =	shalt  }
.Lfunc_end0:
.L_simem_size_0:
called_computation_lowered:
.L_overlay_start_0:
0x88: {  	s2 =	sld [smem:$0x3FD9]  }
0x89: {  	s3 =	sld [smem:$0x3FFE];
	_ =	sdelay $0x1  }
0x8a: {  	s1 =	srdreg.scid  }
0x8b: {  	s0 =	sand.u32 $0x1, s1  }
0x8c: {  	s17 =	sshll.u32 s0, $0xA;
	s2 =	sadd.s32 s3, s2  }
0x8d: {  	s2 =	sadd.s32 s2, s17  }
0x8e: {  	[smem:$0x3FBA] =	sst s2  }
0x8f: {  	_ = 	snop  }
0x90: {  	s2 =	sld [smem:$0x3FC9]  }
0x91: {  	s18 =	sld [smem:$0x3FC8]  }
0x92: {  	s4 =	sld [smem:$0x3FC7]  }
0x93: {  	s5 =	sld [smem:$0x3FC6];
	(tm) =	ssettm $0x1  }
0x94: {  	s6 =	sld [smem:$0x3FFB];
	_ =	sdelay $0x3  }
0x95: {  	_ =	strace s6  }
0x96: {  	s6 =	sld [smem:$0x3FFC];
	_ =	sdelay $0x3  }
0x97: {  	_ =	strace s6  }
0x98: {  	s6 =	sld [smem:$0x3FFD];
	_ =	sdelay $0x3  }
0x99: {  	_ =	strace s6  }
0x9a: {  	_ =	strace $0x8FFFFFFF  }
0x9b: {  	s19 =	sld [smem:$0x3FDB];
	_ =	sdelay $0x1  }
0x9c: {  	s7 =	simm.s32 $_scs_section_size  }
0x9d: {  	s8 =	simm.s32 $_size__tile_overlayer_lowered;
	s9 =	simm.s32 $_tile_overlayer_lowered  }
0x9e: {  	s22 =	simm.s32 $0x1BFF;
	s21 =	sshll.u32 s9, $0x1;
	s6 =	sadd.s32 s7, s19  }
0x9f: {  	s10 =	simm.s32 $0x0;
	s20 =	sshll.u32 s8, $0x1;
	s8 =	sadd.s32 s21, s6  }
0xa0: {  	[timem:s10], [sflag:s22] =	dma.local [hbm:s8], s20  }
0xa1: {  	_ =	swait.ge [sflag:s22], s20  }
0xa2: {  	s7 =	ssub.s32 $0x0, s20;
	[sflag:s22] =	ssyncset.done $0x0  }
0xa3: {  	[sflag:s22] =	ssyncadd.s32 s7;
	_ =	sdelay $0x1  }
0xa4: {  	s23 =	simm.s32 $0x1B8B  }
0xa5: {  	_ =	swait.ge [sflag:s23], $0x1  }
0xa6: {  	[sflag:s23] =	ssyncset.done $0x0  }
0xa7: {  	s25 =	simm.s32 $0x1B8E;
	s24 =	sld [smem:$0x3FFE];
	[sflag:s23] =	ssyncadd.s32 $0xFFFFFFFF  }
0xa8: {  	s26 =	simm.s32 $execute0_lowered;
	[smem:$0x3FD2] =	sst s25  }
0xa9: {  	s8 =	sshll.u32 s26, $0x1;
	_ =	strace $0x80000046;
	[dreg:$0x1] =	wrdreg $0xFFFFFFFF  }
0xaa: {  	s28 =	simm.s32 $_size_execute0_lowered;
	s6 =	sadd.s32 s6, s8;
	[dreg:$0x0] =	wrdreg $0x0  }
0xab: {  	s8 =	sshll.u32 s28, $0x1;
	[dreg:$0x2] =	wrdreg s6  }
0xac: {  	[dreg:$0x3] =	wrdreg s8  }
0xad: {  	[dreg:$0x4] =	wrdreg $0xC0  }
0xae: {  	_ =	task [dreg:s10], $0x5FFFF  }
0xaf: {  	[dreg:$0x1] =	wrdreg $0xFFFFFFFF  }
0xb0: {  	[dreg:$0x0] =	wrdreg $0x60  }
0xb1: {  	[dreg:$0x2] =	wrdreg s4  }
0xb2: {  	[dreg:$0x3] =	wrdreg s5  }
0xb3: {  	[dreg:$0x4] =	wrdreg s2  }
0xb4: {  	[dreg:$0x5] =	wrdreg s18  }
0xb5: {  	[dreg:$0x6] =	wrdreg s24  }
0xb6: {  	[dreg:$0x7] =	wrdreg $0x9  }
0xb7: {  	_ =	task.clear_ibuf [dreg:s10], $0x8FFFF;
	_ =	strace $0x90000046  }
0xb8: {  	s29 =	simm.s32 $0x9;
	_ =	strace $0x80000048  }
0xb9: {  	_ =	swait.ge [sflag:s29], $0x1  }
0xba: {  	[sflag:s29] =	ssyncadd.s32 $0xFFFFFFFF  }
0xbb: {  	_ =	strace $0x90000048  }
0xbc: {  	_ =	sfence  }
0xbd: {  	s30 =	sld [smem:$0x0];
	_ =	sdelay $0x2  }
0xbe: {  	s31 =	sshll.u32 s1, $0xD;
	s1 =	sshrl.u32 s1, $0x2  }
0xbf: {  	s3 =	sand.u32 $0x4000, s31;
	s1 =	sadd.s32 s1, s30  }
0xc0: {  	s0 =	sor.u32 s3, s0;
	s1 =	sshll.u32 s1, $0x11  }
0xc1: {  	s0 =	sor.u32 s1, s0  }
0xc2: {  	s0 =	sadd.s32 $0x8F2B, s0  }
0xc3: {  	[sflag:s0] =	ssyncadd.remote.s32 $0x1  }
0xc4: {  	_ =	sfence.sel $0xFFFF  }
0xc5: {  	[dreg:$0x0] =	wrdreg $0xFFFFFFFF;
	(pc) =	sbr.abs _section_cstart, $3  }
0xc6: {  	[dreg:$0x1] =	wrdreg $0xFFFFFFFF  }
0xc7: {  	_ =	task.clear_ibuf [dreg:s10], $0x2FFFF;
	_ =	strace $0x9FFFFFFF  }
0xc8: {  	(tm) =	ssettm $0x7FFFFFFF  }
0xc9: {  	_ =	shalt  }
tec
execute0_lowered:
.L_overlay_start_1:
0x0: {  	(tag) =	ssettag $0x1  }
0x1: {  	s1 =	rddreg [dreg:$0x0]  }
0x2: {  	s2 =	rddreg [dreg:$0x1]  }
0x3: {  	s5 =	rddreg [dreg:$0x2];
	s3 =	srdreg.scid  }
0x4: {  	s10 =	rddreg [dreg:$0x3];
	s0 =	stileid.u32;
	s21 =	sand.u32 $0x1, s3  }
0x5: {  	s20 =	rddreg [dreg:$0x4];
	s6 =	sshll.u32 s0, $0x9;
	s7 =	sshll.u32 s21, $0x8  }
0x6: {  	s4 =	simm.s32 $0x0;
	s3 =	rddreg [dreg:$0x5];
	s16 =	sor.u32 s7, s6  }
0x7: {  	[smem:$0x7FF] =	sst s4;
	s11 =	sshrl.u32 s16, $0x3  }
0x8: {  	_ =	strace $0x80000047;
	s6 =	sadd.s32 s5, s11;
	s5 =	simm.s32 $0x5  }
0x9: {  	[tilespmem:s4], [sflag:$0x5] =	stream.linear.gather [hbm4b:s6+s4], $0x100, $0x38;
	[tilespmem:$0x10200] =	vst v63  }
0xa: {  	_ =	swait.ge [sflag:s5], $0x100  }
0xb: {  	[sflag:s5] =	ssyncset.done $0x0  }
0xc: {  	s8 =	simm.s32 $0x200;
	s7 =	simm.s32 $0x80;
	[sflag:s5] =	ssyncadd.s32 $0xFFFFFF00  }
0xd: {  	[tilespmem:s8], [sflag:$0x1] =	stream.indirect.gather [hbm4b:s1+s7], $0x80, s4, s7, $0xb8;
	[tilespmem:$0x10200] =	vst v63  }
0xe: {  	s9 =	simm.s32 $0x4200  }
0xf: {  	[tilespmem:s9], [sflag:$0x2] =	stream.indirect.gather [hbm4b:s1+s7], $0x80, s7, s7, $0xb8;
	[tilespmem:$0x10200] =	vst v63  }
0x10: {  	s10 =	sadd.s32 s10, s11;
	s11 =	simm.s32 $0x100  }
0x11: {  	[tilespmem:s11], [sflag:$0x5] =	stream.linear.gather [hbm4b:s10+s4], $0x100, $0x38;
	[tilespmem:$0x10200] =	vst v63  }
0x12: {  	_ =	swait.ge [sflag:s5], $0x100  }
0x13: {  	[sflag:s5] =	ssyncset.done $0x0  }
0x14: {  	s12 =	simm.s32 $0x8200;
	[sflag:s5] =	ssyncadd.s32 $0xFFFFFF00  }
0x15: {  	[tilespmem:s12], [sflag:$0x3] =	stream.indirect.gather [hbm4b:s2+s7], $0x80, s11, s7, $0xb8;
	[tilespmem:$0x10200] =	vst v63  }
0x16: {  	s13 =	simm.s32 $0x180;
	s14 =	simm.s32 $0xC200;
	s15 =	simm.s32 $0x1  }
0x17: {  	[tilespmem:s14], [sflag:$0x4] =	stream.indirect.gather [hbm4b:s2+s7], $0x80, s13, s7, $0xb8;
	[tilespmem:$0x10200] =	vst v63  }
0x18: {  	_ =	swait.ge [sflag:s15], $0x4000  }
0x19: {  	s18 =	sadd.s32 $0x2A00, s20;
	s22 =	sshll.u32 s16, $0x4;
	[sflag:s15] =	ssyncset.done $0x0  }
0x1a: {  	s16 =	sadd.s32 s18, s22;
	[sflag:s15] =	ssyncadd.s32 $0xFFFFC000  }
0x1b: {  	[hbm4b:s16+s4] =	stream.linear.scatter [tilespmem:s8], [sflag:$0x5], $0x4000, $0x38;
	[tilespmem:$0x10200] =	vst v63  }
0x1c: {  	_ =	swait.ge [sflag:s5], $0x4000  }
0x1d: {  	[sflag:s5] =	ssyncset.done $0x0  }
0x1e: {  	s17 =	simm.s32 $0x2;
	[sflag:s5] =	ssyncadd.s32 $0xFFFFC000  }
0x1f: {  	_ =	swait.ge [sflag:s17], $0x4000  }
0x20: {  	s23 =	sor.u32 $0x800, s22;
	[sflag:s17] =	ssyncset.done $0x0  }
0x21: {  	s18 =	sadd.s32 s18, s23;
	[sflag:s17] =	ssyncadd.s32 $0xFFFFC000  }
0x22: {  	[hbm4b:s18+s4] =	stream.linear.scatter [tilespmem:s9], [sflag:$0x5], $0x4000, $0x38;
	[tilespmem:$0x10200] =	vst v63  }
0x23: {  	_ =	swait.ge [sflag:s5], $0x4000  }
0x24: {  	[sflag:s5] =	ssyncset.done $0x0  }
0x25: {  	s19 =	simm.s32 $0x3;
	[sflag:s5] =	ssyncadd.s32 $0xFFFFC000  }
0x26: {  	_ =	swait.ge [sflag:s19], $0x4000  }
0x27: {  	s24 =	sadd.s32 $0x22A00, s20;
	[sflag:s19] =	ssyncset.done $0x0  }
0x28: {  	s30 =	ssub.s32 $0x2, s21;
	s20 =	sadd.s32 s24, s22;
	[sflag:s19] =	ssyncadd.s32 $0xFFFFC000  }
0x29: {  	[hbm4b:s20+s4] =	stream.linear.scatter [tilespmem:s12], [sflag:$0x5], $0x4000, $0x38;
	[tilespmem:$0x10200] =	vst v63  }
0x2a: {  	s25 =	sshrl.u32 s30, $0x1;
	_ =	swait.ge [sflag:s5], $0x4000  }
0x2b: {  	s25 =	ssub.s32 s30, s25;
	[sflag:s5] =	ssyncset.done $0x0  }
0x2c: {  	s21 =	simm.s32 $0x4;
	s31 =	smax.u32 s25, $0x1;
	[sflag:s5] =	ssyncadd.s32 $0xFFFFC000  }
0x2d: {  	p0 =	sne.s32 s31, $0x1;
	_ =	swait.ge [sflag:s21], $0x4000  }
.Ltmp0:
0x2e: {  	[sflag:s21] =	ssyncset.done $0x0;
	(pc) =	sbr.rel @!p0 .LBB2_2-.Ltmp0, $4  }
0x2f: {  	s22 =	sadd.s32 s24, s23;
	[sflag:s21] =	ssyncadd.s32 $0xFFFFC000  }
0x30: {  	[hbm4b:s22+s4] =	stream.linear.scatter [tilespmem:s14], [sflag:$0x5], $0x4000, $0x38;
	[tilespmem:$0x10200] =	vst v63  }
0x31: {  	_ =	swait.ge [sflag:s5], $0x4000  }
0x32: {  	s23 =	sadd.s32 $0xFFFFFFFF, s31;
	[sflag:s5] =	ssyncset.done $0x0  }
.LBB2_1:
0x33: {  	p0 =	sne.s32 s23, $0x1;
	s23 =	sadd.s32 $0xFFFFFFFF, s23;
	[sflag:s5] =	ssyncadd.s32 $0xFFFFC000  }
0x34: {  	[tilespmem:s4], [sflag:$0x5] =	stream.linear.gather [hbm4b:s6+s4], $0x100, $0x38;
	[tilespmem:$0x10200] =	vst v63  }
0x35: {  	_ =	swait.ge [sflag:s5], $0x100  }
0x36: {  	[sflag:s5] =	ssyncset.done $0x0  }
0x37: {  	[sflag:s5] =	ssyncadd.s32 $0xFFFFFF00  }
0x38: {  	[tilespmem:s8], [sflag:$0x1] =	stream.indirect.gather [hbm4b:s1+s7], $0x80, s4, s7, $0xb8;
	[tilespmem:$0x10200] =	vst v63  }
0x39: {  	_ = 	snop  }
0x3a: {  	[tilespmem:s9], [sflag:$0x2] =	stream.indirect.gather [hbm4b:s1+s7], $0x80, s7, s7, $0xb8;
	[tilespmem:$0x10200] =	vst v63  }
0x3b: {  	_ = 	snop  }
0x3c: {  	[tilespmem:s11], [sflag:$0x5] =	stream.linear.gather [hbm4b:s10+s4], $0x100, $0x38;
	[tilespmem:$0x10200] =	vst v63  }
0x3d: {  	_ =	swait.ge [sflag:s5], $0x100  }
0x3e: {  	[sflag:s5] =	ssyncset.done $0x0  }
0x3f: {  	[sflag:s5] =	ssyncadd.s32 $0xFFFFFF00  }
0x40: {  	[tilespmem:s12], [sflag:$0x3] =	stream.indirect.gather [hbm4b:s2+s7], $0x80, s11, s7, $0xb8;
	[tilespmem:$0x10200] =	vst v63  }
0x41: {  	_ = 	snop  }
0x42: {  	[tilespmem:s14], [sflag:$0x4] =	stream.indirect.gather [hbm4b:s2+s7], $0x80, s13, s7, $0xb8;
	[tilespmem:$0x10200] =	vst v63  }
0x43: {  	_ =	swait.ge [sflag:s15], $0x4000  }
0x44: {  	[sflag:s15] =	ssyncset.done $0x0  }
0x45: {  	[sflag:s15] =	ssyncadd.s32 $0xFFFFC000  }
0x46: {  	[hbm4b:s16+s4] =	stream.linear.scatter [tilespmem:s8], [sflag:$0x5], $0x4000, $0x38;
	[tilespmem:$0x10200] =	vst v63  }
0x47: {  	_ =	swait.ge [sflag:s5], $0x4000  }
0x48: {  	[sflag:s5] =	ssyncset.done $0x0  }
0x49: {  	[sflag:s5] =	ssyncadd.s32 $0xFFFFC000  }
0x4a: {  	_ =	swait.ge [sflag:s17], $0x4000  }
0x4b: {  	[sflag:s17] =	ssyncset.done $0x0  }
0x4c: {  	[sflag:s17] =	ssyncadd.s32 $0xFFFFC000  }
0x4d: {  	[hbm4b:s18+s4] =	stream.linear.scatter [tilespmem:s9], [sflag:$0x5], $0x4000, $0x38;
	[tilespmem:$0x10200] =	vst v63  }
0x4e: {  	_ =	swait.ge [sflag:s5], $0x4000  }
0x4f: {  	[sflag:s5] =	ssyncset.done $0x0  }
0x50: {  	[sflag:s5] =	ssyncadd.s32 $0xFFFFC000  }
0x51: {  	_ =	swait.ge [sflag:s19], $0x4000  }
0x52: {  	[sflag:s19] =	ssyncset.done $0x0  }
0x53: {  	[sflag:s19] =	ssyncadd.s32 $0xFFFFC000  }
0x54: {  	[hbm4b:s20+s4] =	stream.linear.scatter [tilespmem:s12], [sflag:$0x5], $0x4000, $0x38;
	[tilespmem:$0x10200] =	vst v63  }
0x55: {  	_ =	swait.ge [sflag:s5], $0x4000  }
0x56: {  	[sflag:s5] =	ssyncset.done $0x0  }
0x57: {  	[sflag:s5] =	ssyncadd.s32 $0xFFFFC000  }
0x58: {  	_ =	swait.ge [sflag:s21], $0x4000  }
.Ltmp1:
0x59: {  	[sflag:s21] =	ssyncset.done $0x0;
	(pc) =	sbr.rel @p0 .LBB2_1-.Ltmp1, $4  }
0x5a: {  	[sflag:s21] =	ssyncadd.s32 $0xFFFFC000  }
0x5b: {  	[hbm4b:s22+s4] =	stream.linear.scatter [tilespmem:s14], [sflag:$0x5], $0x4000, $0x38;
	[tilespmem:$0x10200] =	vst v63  }
0x5c: {  	_ =	swait.ge [sflag:s5], $0x4000  }
0x5d: {  	[sflag:s5] =	ssyncset.done $0x0  }
.LBB2_2:
0x5e: {  	[sflag:s5] =	ssyncadd.s32 $0xFFFFC000  }
0x5f: {  	_ =	sfence.sel $0x180000  }
0x60: {  	[bflag:$0x0] =	sbarrier.arrive $0xFFFF  }
0x61: {  	p0 =	sne.s32 s0, $0x0;
	_ =	strace $0x90000047  }
0x62: {  	s0 =	sadd.s32 @!p0 $0x100000, s3;
	[bflag:$0x2] =	sbarrier.arrive $0xFFFF  }
0x63: {  	[sflag:s0] =	ssyncadd.tile.s32 @!p0 $0x1;
	_ =	shalt  }
.Lfunc_end2:
_tile_overlayer_lowered:
.L_overlay_start_2:
0x64: {  	(tag) =	ssettag $0x2  }
0x65: {  	s0 =	rddreg [dreg:$0x0];
	s2 =	stileid.u32  }
0x66: {  	s1 =	rddreg [dreg:$0x1];
	p0 =	sne.s32 s2, $0x0  }
0x67: {  	s3 =	rddreg [dreg:$0x2];
	[bflag:$0x3] =	sbarrier.arrive $0xFFFF;
	s2 =	simm.s32 @!p0 $0x1C05  }
0x68: {  	[timem:s3], [sflag:s2] =	dma.local @!p0 [hbm:s0], s1  }
0x69: {  	s0 =	simm.s32 @!p0 $0x5  }
0x6a: {  	_ =	swait.ge @!p0 [sflag:s0], s1  }
0x6b: {  	s1 =	ssub.s32 @!p0 $0x0, s1;
	[sflag:s0] =	ssyncset.done @!p0 $0x0  }
0x6c: {  	[sflag:s0] =	ssyncadd.s32 @!p0 s1  }
0x6d: {  	[bflag:$0x3] =	sbarrier.arrive $0xFFFF  }
0x6e: {  	_ =	shalt  }

// kernel: kernel.9.cloned.1.call-start
scs
__scs_entry_jumppad:
0x0: {  	(pc) =	sbr.rel $0x88, $3  }
0x1: {  	(tag) =	ssettag $0x0;
	lr =	simm.s32 $0x1  }
0x2: {  	[smem:$0x3F93] =	sst lr;
	_ =	strace $0xD0000000  }
0x3: {  	_ = 	snop  }
0x4: {  	_ = 	snop  }
0x5: {  	_ = 	snop  }
0x6: {  	_ = 	snop  }
0x7: {  	_ = 	snop  }
__scs_overlays_trampoline_lowered:
0x8: {  	[smem:$0x3FA2] =	sst s0  }
0x9: {  	[smem:$0x3FA3] =	sst s1  }
0xa: {  	[smem:$0x3FA4] =	sst s2  }
0xb: {  	[smem:$0x3FA5] =	sst s3  }
0xc: {  	[smem:$0x3FA6] =	sst s4  }
0xd: {  	[smem:$0x3FA7] =	sst s5  }
0xe: {  	[smem:$0x3FA8] =	sst s6  }
0xf: {  	[smem:$0x3FA9] =	sst s7  }
0x10: {  	[smem:$0x3FAA] =	sst s8  }
0x11: {  	[smem:$0x3FAB] =	sst s9;
	s0 =	simm.s32 @!p0 $0x0  }
0x12: {  	s1 =	sld [smem:$0x3F91];
	s0 =	simm.s32 @p0 $0x1  }
0x13: {  	[smem:$0x3FAC] =	sst s0;
	s0 =	simm.s32 @!p1 $0x0  }
0x14: {  	s2 =	sld [smem:$0x3F90];
	s0 =	simm.s32 @p1 $0x1  }
0x15: {  	[smem:$0x3FAD] =	sst s0;
	s0 =	simm.s32 @!p2 $0x0  }
0x16: {  	s3 =	sld [smem:$0x3FDB];
	s0 =	simm.s32 @p2 $0x1  }
0x17: {  	s4 =	simm.s32 $0x1BF5;
	[smem:$0x3FAF] =	sst s0  }
0x18: {  	s0 =	sld [smem:$0x3F92];
	_ =	swait.ge [sflag:s4], $0x0  }
0x19: {  	s7 =	sld [smem:$0x3F93]  }
0x1a: {  	s8 =	sadd.s32 $0xFFFFE003, lr  }
0x1b: {  	s9 =	sadd.s32 $0xFFFFFEF7, lr;
	s5 =	simm.s32 $0xFFFFFFFF;
	p2 =	slt.u32 s8, $0xFFFFF086  }
0x1c: {  	p1 =	slt.u32 s9, $0xF7A;
	s5 =	simm.s32 @!p2 $0x0  }
0x1d: {  	s5 =	simm.s32 @p1 $0x1;
	p0 =	seq.s32 s7, s2  }
0x1e: {  	s7 =	smul.u32 @!p0 $0xF7A, s2;
	p2 =	seq.s32 @!p0 s5, $0x0  }
0x1f: {  	s9 =	smul.u32 $0xF7A, s1;
	s8 =	simm.s32 @!p0 $0x1BF5;
	p2 =	por !p2, p0  }
0x20: {  	[sflag:s8] =	ssyncset.s32 @!p0 $0xFFFFF086;
	s6 =	sadd.s32 @!p0 s3, s7;
	s7 =	simm.s32 @!p0 $0x108  }
0x21: {  	s3 =	sadd.s32 s3, s9;
	s6 =	sadd.s32 @!p0 $0x88, s6;
	s7 =	simm.s32 @p2 $0x1082  }
0x22: {  	[simem:s7], [sflag:s8] =	dma.local @!p0 [hbm:s6], $0xF7A  }
0x23: {  	s9 =	sor.u32 $0xD0000000, s2;
	s6 =	simm.s32 $0x108;
	_ =	swait.ge @!p0 [sflag:s8], $0x0  }
0x24: {  	s3 =	sadd.s32 $0x88, s3;
	s6 =	simm.s32 @!p1 $0x1082;
	[sflag:s4] =	ssyncset.s32 $0xFFFFF086  }
0x25: {  	[simem:s6], [sflag:s4] =	dma.local [hbm:s3], $0xF7A  }
0x26: {  	[smem:$0x3F93] =	sst s1;
	(tag) =	ssettag s2;
	_ =	strace s9  }
0x27: {  	s1 =	sld [smem:$0x3FA3]  }
0x28: {  	s2 =	sld [smem:$0x3FA4]  }
0x29: {  	s4 =	sld [smem:$0x3FA6]  }
0x2a: {  	p0 =	seq.s32 s5, $0x0;
	s5 =	sld [smem:$0x3FA7]  }
0x2b: {  	s6 =	sld [smem:$0x3FA8]  }
0x2c: {  	s7 =	sld [smem:$0x3FA9]  }
0x2d: {  	s3 =	simm.s32 $0x108;
	s8 =	sld [smem:$0x3FAA]  }
0x2e: {  	s3 =	simm.s32 @!p0 $0x1082;
	s9 =	sld [smem:$0x3FAB]  }
0x2f: {  	lr =	sadd.s32 s0, s3;
	s0 =	sld [smem:$0x3FA2]  }
0x30: {  	s3 =	sld [smem:$0x3FA5]  }
0x31: {  	[smem:$0x3FAE] =	sst s10  }
0x32: {  	s10 =	sld [smem:$0x3FAC];
	_ =	sdelay $0x3  }
0x33: {  	p0 =	seq.s32 s10, $0x1;
	s10 =	sld [smem:$0x3FAE];
	_ =	sdelay $0x3  }
0x34: {  	[smem:$0x3FAE] =	sst s10  }
0x35: {  	s10 =	sld [smem:$0x3FAD];
	_ =	sdelay $0x3  }
0x36: {  	p1 =	seq.s32 s10, $0x1;
	s10 =	sld [smem:$0x3FAE];
	_ =	sdelay $0x3  }
0x37: {  	[smem:$0x3FAE] =	sst s10  }
0x38: {  	s10 =	sld [smem:$0x3FAF]  }
0x39: {  	_ = 	snop;
	(pc) =	sbr.ind lr, $3  }
0x3a: {  	_ = 	snop  }
0x3b: {  	_ = 	snop  }
0x3c: {  	p2 =	seq.s32 s10, $0x1;
	s10 =	sld [smem:$0x3FAE]  }
0x3d: {  	_ =	shalt  }
0x3e: {  	_ =	shalt  }
0x3f: {  	_ =	shalt  }
0x40: {  	_ =	shalt  }
0x41: {  	_ =	shalt  }
0x42: {  	_ =	shalt  }
0x43: {  	_ =	shalt  }
0x44: {  	_ =	shalt  }
0x45: {  	_ =	shalt  }
0x46: {  	_ =	shalt  }
0x47: {  	_ =	shalt  }
0x48: {  	_ =	shalt  }
0x49: {  	_ =	shalt  }
0x4a: {  	_ =	shalt  }
0x4b: {  	_ =	shalt  }
0x4c: {  	_ =	shalt  }
0x4d: {  	_ =	shalt  }
0x4e: {  	_ =	shalt  }
0x4f: {  	_ =	shalt  }
0x50: {  	_ =	shalt  }
0x51: {  	_ =	shalt  }
0x52: {  	_ =	shalt  }
0x53: {  	_ =	shalt  }
0x54: {  	_ =	shalt  }
0x55: {  	_ =	shalt  }
0x56: {  	_ =	shalt  }
0x57: {  	_ =	shalt  }
0x58: {  	_ =	shalt  }
0x59: {  	_ =	shalt  }
0x5a: {  	_ =	shalt  }
0x5b: {  	_ =	shalt  }
0x5c: {  	_ =	shalt  }
0x5d: {  	_ =	shalt  }
0x5e: {  	_ =	shalt  }
0x5f: {  	_ =	shalt  }
0x60: {  	_ =	shalt  }
0x61: {  	_ =	shalt  }
0x62: {  	_ =	shalt  }
0x63: {  	_ =	shalt  }
0x64: {  	_ =	shalt  }
0x65: {  	_ =	shalt  }
0x66: {  	_ =	shalt  }
0x67: {  	_ =	shalt  }
0x68: {  	_ =	shalt  }
0x69: {  	_ =	shalt  }
0x6a: {  	_ =	shalt  }
0x6b: {  	_ =	shalt  }
0x6c: {  	_ =	shalt  }
0x6d: {  	_ =	shalt  }
0x6e: {  	_ =	shalt  }
0x6f: {  	_ =	shalt  }
0x70: {  	_ =	shalt  }
0x71: {  	_ =	shalt  }
0x72: {  	_ =	shalt  }
0x73: {  	_ =	shalt  }
0x74: {  	_ =	shalt  }
0x75: {  	_ =	shalt  }
0x76: {  	_ =	shalt  }
0x77: {  	_ =	shalt  }
0x78: {  	_ =	shalt  }
0x79: {  	_ =	shalt  }
0x7a: {  	_ =	shalt  }
0x7b: {  	_ =	shalt  }
0x7c: {  	_ =	shalt  }
0x7d: {  	_ =	shalt  }
0x7e: {  	_ =	shalt  }
0x7f: {  	_ =	shalt  }
0x80: {  	_ =	shalt  }
0x81: {  	_ =	shalt  }
0x82: {  	_ =	shalt  }
0x83: {  	_ =	shalt  }
0x84: {  	_ =	shalt  }
0x85: {  	_ =	shalt  }
0x86: {  	_ =	shalt  }
0x87: {  	_ =	shalt  }
.Lfunc_end0:
.L_simem_size_0:
called_computation.1_lowered:
.L_overlay_start_0:
0x88: {  	s2 =	sld [smem:$0x3FD9]  }
0x89: {  	s3 =	sld [smem:$0x3FFE];
	_ =	sdelay $0x1  }
0x8a: {  	s1 =	srdreg.scid  }
0x8b: {  	s0 =	sand.u32 $0x1, s1  }
0x8c: {  	s17 =	sshll.u32 s0, $0xA;
	s2 =	sadd.s32 s3, s2  }
0x8d: {  	s2 =	sadd.s32 s2, s17  }
0x8e: {  	[smem:$0x3FBA] =	sst s2  }
0x8f: {  	_ = 	snop  }
0x90: {  	s18 =	sld [smem:$0x3FC9]  }
0x91: {  	s4 =	sld [smem:$0x3FC8]  }
0x92: {  	s5 =	sld [smem:$0x3FC7]  }
0x93: {  	s6 =	sld [smem:$0x3FC6];
	(tm) =	ssettm $0x1  }
0x94: {  	s19 =	sld [smem:$0x3FFB];
	_ =	sdelay $0x3  }
0x95: {  	_ =	strace s19  }
0x96: {  	s2 =	sld [smem:$0x3FFC];
	_ =	sdelay $0x3  }
0x97: {  	_ =	strace s2  }
0x98: {  	s2 =	sld [smem:$0x3FFD];
	_ =	sdelay $0x3  }
0x99: {  	_ =	strace s2  }
0x9a: {  	_ =	strace $0x8FFFFFFF  }
0x9b: {  	s20 =	sld [smem:$0x3FDB];
	_ =	sdelay $0x1  }
0x9c: {  	s7 =	simm.s32 $_scs_section_size  }
0x9d: {  	s8 =	simm.s32 $_size__tile_overlayer_lowered;
	s9 =	simm.s32 $_tile_overlayer_lowered  }
0x9e: {  	s10 =	simm.s32 $0x1BFF;
	s21 =	sshll.u32 s9, $0x1;
	s7 =	sadd.s32 s7, s20  }
0x9f: {  	s22 =	simm.s32 $0x0;
	s8 =	sshll.u32 s8, $0x1;
	s9 =	sadd.s32 s21, s7  }
0xa0: {  	[timem:s22], [sflag:s10] =	dma.local [hbm:s9], s8  }
0xa1: {  	_ =	swait.ge [sflag:s10], s8  }
0xa2: {  	s8 =	ssub.s32 $0x0, s8;
	[sflag:s10] =	ssyncset.done $0x0  }
0xa3: {  	[sflag:s10] =	ssyncadd.s32 s8;
	_ =	sdelay $0x1  }
0xa4: {  	s23 =	simm.s32 $0x1B8B  }
0xa5: {  	_ =	swait.ge [sflag:s23], $0x1  }
0xa6: {  	[sflag:s23] =	ssyncset.done $0x0  }
0xa7: {  	[sflag:s23] =	ssyncadd.s32 $0xFFFFFFFF  }
0xa8: {  	s8 =	sld [smem:$0x0]  }
0xa9: {  	s9 =	sand.u32 $0xFFFFFFFE, s1  }
0xaa: {  	p0 =	sne.s32 s1, s9  }
0xab: {  	s9 =	sshll.u32 @p0 s9, $0xE  }
0xac: {  	s9 =	sadd.s32 @p0 $0x11B8D, s9;
	s10 =	sshll.u32 @p0 s8, $0x11  }
0xad: {  	s9 =	sor.u32 @p0 s10, s9  }
0xae: {  	[sflag:s9] =	ssyncadd.remote.s32 @p0 $0x1;
	_ =	sdelay $0x1  }
0xaf: {  	s9 =	simm.s32 @p0 $0x1B8D  }
0xb0: {  	_ =	swait.eq @p0 [sflag:s9], $0x1  }
0xb1: {  	[sflag:s9] =	ssyncadd.s32 @p0 $0xFFFFFFFF  }
0xb2: {  	s10 =	sshll.u32 @!p0 s1, $0xE  }
0xb3: {  	s10 =	sor.u32 @!p0 $0x4000, s10;
	s9 =	simm.s32 @!p0 $0x1B8D  }
0xb4: {  	s8 =	sshll.u32 @!p0 s8, $0x11;
	s10 =	sadd.s32 @!p0 $0x11B8D, s10;
	_ =	swait.eq @!p0 [sflag:s9], $0x1  }
0xb5: {  	s8 =	sor.u32 @!p0 s8, s10;
	[sflag:s9] =	ssyncadd.s32 @!p0 $0xFFFFFFFF  }
0xb6: {  	s25 =	simm.s32 $0x1B8E;
	s24 =	sld [smem:$0x3FFE];
	[sflag:s8] =	ssyncadd.remote.s32 @!p0 $0x1  }
0xb7: {  	s26 =	simm.s32 $execute0_lowered;
	[smem:$0x3FD2] =	sst s25  }
0xb8: {  	s9 =	sshll.u32 s26, $0x1;
	_ =	strace $0x80000049;
	[dreg:$0x1] =	wrdreg $0xFFFFFFFF  }
0xb9: {  	s28 =	simm.s32 $_size_execute0_lowered;
	s7 =	sadd.s32 s7, s9;
	[dreg:$0x0] =	wrdreg $0x0  }
0xba: {  	s9 =	sshll.u32 s28, $0x1;
	[dreg:$0x2] =	wrdreg s7  }
0xbb: {  	[dreg:$0x3] =	wrdreg s9  }
0xbc: {  	[dreg:$0x4] =	wrdreg $0xC0  }
0xbd: {  	_ =	task [dreg:s22], $0x5FFFF  }
0xbe: {  	[dreg:$0x1] =	wrdreg $0xFFFFFFFF  }
0xbf: {  	[dreg:$0x0] =	wrdreg $0x60  }
0xc0: {  	[dreg:$0x2] =	wrdreg s5  }
0xc1: {  	[dreg:$0x3] =	wrdreg s6  }
0xc2: {  	[dreg:$0x4] =	wrdreg s18  }
0xc3: {  	[dreg:$0x5] =	wrdreg s4  }
0xc4: {  	[dreg:$0x6] =	wrdreg s24  }
0xc5: {  	[dreg:$0x7] =	wrdreg $0xA  }
0xc6: {  	_ =	task.clear_ibuf [dreg:s22], $0x8FFFF;
	_ =	strace $0x90000049  }
0xc7: {  	s29 =	simm.s32 $0xA;
	_ =	strace $0x8000004B  }
0xc8: {  	_ =	swait.ge [sflag:s29], $0x1  }
0xc9: {  	[sflag:s29] =	ssyncadd.s32 $0xFFFFFFFF  }
0xca: {  	_ =	strace $0x9000004B  }
0xcb: {  	_ =	sfence  }
0xcc: {  	s30 =	sld [smem:$0x0];
	_ =	sdelay $0x2  }
0xcd: {  	s31 =	sshll.u32 s1, $0xD;
	s1 =	sshrl.u32 s1, $0x2  }
0xce: {  	s4 =	sand.u32 $0x4000, s31;
	s1 =	sadd.s32 s1, s30  }
0xcf: {  	s0 =	sor.u32 s4, s0;
	s1 =	sshll.u32 s1, $0x11  }
0xd0: {  	s0 =	sor.u32 s1, s0  }
0xd1: {  	s0 =	sadd.s32 $0x8F2B, s0  }
0xd2: {  	[sflag:s0] =	ssyncadd.remote.s32 $0x1  }
0xd3: {  	_ =	sfence.sel $0xFFFF  }
0xd4: {  	[dreg:$0x0] =	wrdreg $0xFFFFFFFF;
	(pc) =	sbr.abs _section_cstart, $3  }
0xd5: {  	[dreg:$0x1] =	wrdreg $0xFFFFFFFF  }
0xd6: {  	_ =	task.clear_ibuf [dreg:s22], $0x2FFFF;
	_ =	strace $0x9FFFFFFF  }
0xd7: {  	(tm) =	ssettm $0x7FFFFFFF  }
tec
execute0_lowered:
.L_overlay_start_1:
0x0: {  	(tag) =	ssettag $0x1  }
0x1: {  	s1 =	rddreg [dreg:$0x0]  }
0x2: {  	s2 =	rddreg [dreg:$0x1];
	s3 =	srdreg.scid  }
0x3: {  	s5 =	rddreg [dreg:$0x2];
	s0 =	stileid.u32;
	s21 =	sand.u32 $0x1, s3  }
0x4: {  	s10 =	rddreg [dreg:$0x3];
	s29 =	sshll.u32 s0, $0x9;
	s4 =	sshll.u32 s21, $0x8  }
0x5: {  	s20 =	rddreg [dreg:$0x4];
	s16 =	sor.u32 s4, s29  }
0x6: {  	s3 =	rddreg [dreg:$0x5];
	s4 =	simm.s32 $0x0;
	s6 =	sshrl.u32 s16, $0x3  }
0x7: {  	[smem:$0x7FF] =	sst s4;
	s11 =	sor.u32 $0x400, s6  }
0x8: {  	_ =	strace $0x8000004A;
	s6 =	sadd.s32 s5, s11;
	s5 =	simm.s32 $0x5  }
0x9: {  	[tilespmem:s4], [sflag:$0x5] =	stream.linear.gather [hbm4b:s6+s4], $0x100, $0x38;
	[tilespmem:$0x10200] =	vst v63  }
0xa: {  	_ =	swait.ge [sflag:s5], $0x100  }
0xb: {  	[sflag:s5] =	ssyncset.done $0x0  }
0xc: {  	s7 =	simm.s32 $0x80;
	s8 =	simm.s32 $0x200;
	[sflag:s5] =	ssyncadd.s32 $0xFFFFFF00  }
0xd: {  	[tilespmem:s8], [sflag:$0x1] =	stream.indirect.gather [hbm4b:s1+s7], $0x80, s4, s7, $0xb8;
	[tilespmem:$0x10200] =	vst v63  }
0xe: {  	s9 =	simm.s32 $0x4200  }
0xf: {  	[tilespmem:s9], [sflag:$0x2] =	stream.indirect.gather [hbm4b:s1+s7], $0x80, s7, s7, $0xb8;
	[tilespmem:$0x10200] =	vst v63  }
0x10: {  	s10 =	sadd.s32 s10, s11;
	s11 =	simm.s32 $0x100  }
0x11: {  	[tilespmem:s11], [sflag:$0x5] =	stream.linear.gather [hbm4b:s10+s4], $0x100, $0x38;
	[tilespmem:$0x10200] =	vst v63  }
0x12: {  	_ =	swait.ge [sflag:s5], $0x100  }
0x13: {  	[sflag:s5] =	ssyncset.done $0x0  }
0x14: {  	s12 =	simm.s32 $0x8200;
	[sflag:s5] =	ssyncadd.s32 $0xFFFFFF00  }
0x15: {  	[tilespmem:s12], [sflag:$0x3] =	stream.indirect.gather [hbm4b:s2+s7], $0x80, s11, s7, $0xb8;
	[tilespmem:$0x10200] =	vst v63  }
0x16: {  	s13 =	simm.s32 $0x180;
	s14 =	simm.s32 $0xC200;
	s15 =	simm.s32 $0x1  }
0x17: {  	[tilespmem:s14], [sflag:$0x4] =	stream.indirect.gather [hbm4b:s2+s7], $0x80, s13, s7, $0xb8;
	[tilespmem:$0x10200] =	vst v63  }
0x18: {  	_ =	swait.ge [sflag:s15], $0x4000  }
0x19: {  	s18 =	sadd.s32 $0x42A00, s20;
	s22 =	sshll.u32 s16, $0x4;
	[sflag:s15] =	ssyncset.done $0x0  }
0x1a: {  	s16 =	sadd.s32 s18, s22;
	[sflag:s15] =	ssyncadd.s32 $0xFFFFC000  }
0x1b: {  	[hbm4b:s16+s4] =	stream.linear.scatter [tilespmem:s8], [sflag:$0x5], $0x4000, $0x38;
	[tilespmem:$0x10200] =	vst v63  }
0x1c: {  	_ =	swait.ge [sflag:s5], $0x4000  }
0x1d: {  	[sflag:s5] =	ssyncset.done $0x0  }
0x1e: {  	s17 =	simm.s32 $0x2;
	[sflag:s5] =	ssyncadd.s32 $0xFFFFC000  }
0x1f: {  	_ =	swait.ge [sflag:s17], $0x4000  }
0x20: {  	s23 =	sor.u32 $0x800, s22;
	[sflag:s17] =	ssyncset.done $0x0  }
0x21: {  	s18 =	sadd.s32 s18, s23;
	[sflag:s17] =	ssyncadd.s32 $0xFFFFC000  }
0x22: {  	[hbm4b:s18+s4] =	stream.linear.scatter [tilespmem:s9], [sflag:$0x5], $0x4000, $0x38;
	[tilespmem:$0x10200] =	vst v63  }
0x23: {  	_ =	swait.ge [sflag:s5], $0x4000  }
0x24: {  	[sflag:s5] =	ssyncset.done $0x0  }
0x25: {  	s19 =	simm.s32 $0x3;
	[sflag:s5] =	ssyncadd.s32 $0xFFFFC000  }
0x26: {  	_ =	swait.ge [sflag:s19], $0x4000  }
0x27: {  	s24 =	sadd.s32 $0x62A00, s20;
	[sflag:s19] =	ssyncset.done $0x0  }
0x28: {  	s30 =	ssub.s32 $0x2, s21;
	s20 =	sadd.s32 s24, s22;
	[sflag:s19] =	ssyncadd.s32 $0xFFFFC000  }
0x29: {  	[hbm4b:s20+s4] =	stream.linear.scatter [tilespmem:s12], [sflag:$0x5], $0x4000, $0x38;
	[tilespmem:$0x10200] =	vst v63  }
0x2a: {  	s25 =	sshrl.u32 s30, $0x1;
	_ =	swait.ge [sflag:s5], $0x4000  }
0x2b: {  	s25 =	ssub.s32 s30, s25;
	[sflag:s5] =	ssyncset.done $0x0  }
0x2c: {  	s21 =	simm.s32 $0x4;
	s31 =	smax.u32 s25, $0x1;
	[sflag:s5] =	ssyncadd.s32 $0xFFFFC000  }
0x2d: {  	p0 =	sne.s32 s31, $0x1;
	_ =	swait.ge [sflag:s21], $0x4000  }
.Ltmp0:
0x2e: {  	[sflag:s21] =	ssyncset.done $0x0;
	(pc) =	sbr.rel @!p0 .LBB2_2-.Ltmp0, $4  }
0x2f: {  	s22 =	sadd.s32 s24, s23;
	[sflag:s21] =	ssyncadd.s32 $0xFFFFC000  }
0x30: {  	[hbm4b:s22+s4] =	stream.linear.scatter [tilespmem:s14], [sflag:$0x5], $0x4000, $0x38;
	[tilespmem:$0x10200] =	vst v63  }
0x31: {  	_ =	swait.ge [sflag:s5], $0x4000  }
0x32: {  	s23 =	sadd.s32 $0xFFFFFFFF, s31;
	[sflag:s5] =	ssyncset.done $0x0  }
.LBB2_1:
0x33: {  	p0 =	sne.s32 s23, $0x1;
	s23 =	sadd.s32 $0xFFFFFFFF, s23;
	[sflag:s5] =	ssyncadd.s32 $0xFFFFC000  }
0x34: {  	[tilespmem:s4], [sflag:$0x5] =	stream.linear.gather [hbm4b:s6+s4], $0x100, $0x38;
	[tilespmem:$0x10200] =	vst v63  }
0x35: {  	_ =	swait.ge [sflag:s5], $0x100  }
0x36: {  	[sflag:s5] =	ssyncset.done $0x0  }
0x37: {  	[sflag:s5] =	ssyncadd.s32 $0xFFFFFF00  }
0x38: {  	[tilespmem:s8], [sflag:$0x1] =	stream.indirect.gather [hbm4b:s1+s7], $0x80, s4, s7, $0xb8;
	[tilespmem:$0x10200] =	vst v63  }
0x39: {  	_ = 	snop  }
0x3a: {  	[tilespmem:s9], [sflag:$0x2] =	stream.indirect.gather [hbm4b:s1+s7], $0x80, s7, s7, $0xb8;
	[tilespmem:$0x10200] =	vst v63  }
0x3b: {  	_ = 	snop  }
0x3c: {  	[tilespmem:s11], [sflag:$0x5] =	stream.linear.gather [hbm4b:s10+s4], $0x100, $0x38;
	[tilespmem:$0x10200] =	vst v63  }
0x3d: {  	_ =	swait.ge [sflag:s5], $0x100  }
0x3e: {  	[sflag:s5] =	ssyncset.done $0x0  }
0x3f: {  	[sflag:s5] =	ssyncadd.s32 $0xFFFFFF00  }
0x40: {  	[tilespmem:s12], [sflag:$0x3] =	stream.indirect.gather [hbm4b:s2+s7], $0x80, s11, s7, $0xb8;
	[tilespmem:$0x10200] =	vst v63  }
0x41: {  	_ = 	snop  }
0x42: {  	[tilespmem:s14], [sflag:$0x4] =	stream.indirect.gather [hbm4b:s2+s7], $0x80, s13, s7, $0xb8;
	[tilespmem:$0x10200] =	vst v63  }
0x43: {  	_ =	swait.ge [sflag:s15], $0x4000  }
0x44: {  	[sflag:s15] =	ssyncset.done $0x0  }
0x45: {  	[sflag:s15] =	ssyncadd.s32 $0xFFFFC000  }
0x46: {  	[hbm4b:s16+s4] =	stream.linear.scatter [tilespmem:s8], [sflag:$0x5], $0x4000, $0x38;
	[tilespmem:$0x10200] =	vst v63  }
0x47: {  	_ =	swait.ge [sflag:s5], $0x4000  }
0x48: {  	[sflag:s5] =	ssyncset.done $0x0  }
0x49: {  	[sflag:s5] =	ssyncadd.s32 $0xFFFFC000  }
0x4a: {  	_ =	swait.ge [sflag:s17], $0x4000  }
0x4b: {  	[sflag:s17] =	ssyncset.done $0x0  }
0x4c: {  	[sflag:s17] =	ssyncadd.s32 $0xFFFFC000  }
0x4d: {  	[hbm4b:s18+s4] =	stream.linear.scatter [tilespmem:s9], [sflag:$0x5], $0x4000, $0x38;
	[tilespmem:$0x10200] =	vst v63  }
0x4e: {  	_ =	swait.ge [sflag:s5], $0x4000  }
0x4f: {  	[sflag:s5] =	ssyncset.done $0x0  }
0x50: {  	[sflag:s5] =	ssyncadd.s32 $0xFFFFC000  }
0x51: {  	_ =	swait.ge [sflag:s19], $0x4000  }
0x52: {  	[sflag:s19] =	ssyncset.done $0x0  }
0x53: {  	[sflag:s19] =	ssyncadd.s32 $0xFFFFC000  }
0x54: {  	[hbm4b:s20+s4] =	stream.linear.scatter [tilespmem:s12], [sflag:$0x5], $0x4000, $0x38;
	[tilespmem:$0x10200] =	vst v63  }
0x55: {  	_ =	swait.ge [sflag:s5], $0x4000  }
0x56: {  	[sflag:s5] =	ssyncset.done $0x0  }
0x57: {  	[sflag:s5] =	ssyncadd.s32 $0xFFFFC000  }
0x58: {  	_ =	swait.ge [sflag:s21], $0x4000  }
.Ltmp1:
0x59: {  	[sflag:s21] =	ssyncset.done $0x0;
	(pc) =	sbr.rel @p0 .LBB2_1-.Ltmp1, $4  }
0x5a: {  	[sflag:s21] =	ssyncadd.s32 $0xFFFFC000  }
0x5b: {  	[hbm4b:s22+s4] =	stream.linear.scatter [tilespmem:s14], [sflag:$0x5], $0x4000, $0x38;
	[tilespmem:$0x10200] =	vst v63  }
0x5c: {  	_ =	swait.ge [sflag:s5], $0x4000  }
0x5d: {  	[sflag:s5] =	ssyncset.done $0x0  }
.LBB2_2:
0x5e: {  	[sflag:s5] =	ssyncadd.s32 $0xFFFFC000  }
0x5f: {  	_ =	sfence.sel $0x180000  }
0x60: {  	[bflag:$0x0] =	sbarrier.arrive $0xFFFF  }
0x61: {  	p0 =	sne.s32 s0, $0x0;
	_ =	strace $0x9000004A  }
0x62: {  	s0 =	sadd.s32 @!p0 $0x100000, s3;
	[bflag:$0x2] =	sbarrier.arrive $0xFFFF  }
0x63: {  	[sflag:s0] =	ssyncadd.tile.s32 @!p0 $0x1;
	_ =	shalt  }
.Lfunc_end2:
_tile_overlayer_lowered:
.L_overlay_start_2:
0x64: {  	(tag) =	ssettag $0x2  }
0x65: {  	s0 =	rddreg [dreg:$0x0];
	s2 =	stileid.u32  }
0x66: {  	s1 =	rddreg [dreg:$0x1];
	p0 =	sne.s32 s2, $0x0  }
0x67: {  	s3 =	rddreg [dreg:$0x2];
	[bflag:$0x3] =	sbarrier.arrive $0xFFFF;
	s2 =	simm.s32 @!p0 $0x1C05  }
0x68: {  	[timem:s3], [sflag:s2] =	dma.local @!p0 [hbm:s0], s1  }
0x69: {  	s0 =	simm.s32 @!p0 $0x5  }
0x6a: {  	_ =	swait.ge @!p0 [sflag:s0], s1  }
0x6b: {  	s1 =	ssub.s32 @!p0 $0x0, s1;
	[sflag:s0] =	ssyncset.done @!p0 $0x0  }
0x6c: {  	[sflag:s0] =	ssyncadd.s32 @!p0 s1  }
0x6d: {  	[bflag:$0x3] =	sbarrier.arrive $0xFFFF  }
0x6e: {  	_ =	shalt  }

</sc_bundles>
